<compile_context>
chip_gen: v7x
topology: tpu7x:2x2x1
jax: 0.10.2.dev20260603
libtpu: 0.0.44.dev20260713+nightly
codegen_flags: <defaults>
</compile_context>

<pallas_src>
import functools

import jax
import jax.numpy as jnp
from jax import lax
from jax.experimental import pallas as pl
from jax.experimental.pallas import tpu as pltpu
from jax.experimental.pallas import tpu_sc as plsc

_G = 256
_K = 32
_LANES = 128
_B = 16
_N = 4096
_D = 256
_NC = 2
_NW = 32
_INF = 1e30


def _fps_body(x_ref, y_ref, z_ref, fidx_ref, dist_ref):
    X = x_ref[...]
    Y = y_ref[...]
    Z = z_ref[...]
    B = X.shape[0]
    pidx = (lax.broadcasted_iota(jnp.int32, X.shape, 1) * _LANES
            + lax.broadcasted_iota(jnp.int32, X.shape, 2))
    dist_ref[...] = jnp.full(X.shape, 1e10, jnp.float32)

    def step(g, far):
        onehot = pidx == far
        cx = jnp.sum(jnp.where(onehot, X, 0.0), axis=(1, 2), keepdims=True)
        cy = jnp.sum(jnp.where(onehot, Y, 0.0), axis=(1, 2), keepdims=True)
        cz = jnp.sum(jnp.where(onehot, Z, 0.0), axis=(1, 2), keepdims=True)
        d = (X - cx) ** 2 + (Y - cy) ** 2 + (Z - cz) ** 2
        dist = jnp.minimum(dist_ref[...], d)
        dist_ref[...] = dist
        m = jnp.max(dist, axis=(1, 2), keepdims=True)
        new_far = jnp.min(
            jnp.where(dist == m, pidx, jnp.int32(X.shape[1] * _LANES)),
            axis=(1, 2), keepdims=True)
        fidx_ref[g] = jnp.broadcast_to(far[:, 0], (B, _LANES))
        return new_far

    lax.fori_loop(0, _G, step, jnp.zeros((B, 1, 1), jnp.int32))


def _fps_pallas(x3, y3, z3, interpret=False):
    B, C, L = x3.shape
    return pl.pallas_call(
        _fps_body,
        out_shape=jax.ShapeDtypeStruct((_G, B, _LANES), jnp.int32),
        scratch_shapes=[pltpu.VMEM((B, C, L), jnp.float32)],
        interpret=interpret,
    )(x3, y3, z3)


def _rev(v):
    return lax.rev(v, (0,))


def _merge16(ad, ai, bd, bi):
    rbd, rbi = _rev(bd), _rev(bi)
    m = ad <= rbd
    lod = jnp.where(m, ad, rbd)
    loi = jnp.where(m, ai, rbi)
    hid = jnp.where(m, rbd, ad)
    hii = jnp.where(m, rbi, ai)
    lod, loi = plsc.sort_key_val(lod, loi)
    hid, hii = plsc.sort_key_val(hid, hii)
    return lod, loi, hid, hii


def _sc_body(x_hbm, y_hbm, z_hbm, fidx_hbm, feat_hbm,
             nb_hbm, cen_hbm, fout_hbm,
             x_t, y_t, z_t, fidx_t, cxs, cys, czs, cen_buf,
             d_buf, cand_d, cand_i, nb_acc, idx_buf, fstage,
             gsem, osem):
    wid = lax.axis_index("s") * _NC + lax.axis_index("c")
    b = wid // 2
    h = wid % 2
    row0 = b * _G + h * 128
    lanes = lax.iota(jnp.int32, 16)
    inf16 = jnp.full((16,), _INF, jnp.float32)
    zero16 = jnp.zeros((16,), jnp.int32)

    pltpu.sync_copy(x_hbm.at[pl.ds(b * _N, _N)], x_t)
    pltpu.sync_copy(y_hbm.at[pl.ds(b * _N, _N)], y_t)
    pltpu.sync_copy(z_hbm.at[pl.ds(b * _N, _N)], z_t)
    pltpu.sync_copy(fidx_hbm.at[pl.ds(row0, 128)], fidx_t)

    def cen_step(j, carry):
        pv = fidx_t[pl.ds(j * 16, 16)]
        cx = plsc.load_gather(x_t, [pv])
        cy = plsc.load_gather(y_t, [pv])
        cz = plsc.load_gather(z_t, [pv])
        cxs[pl.ds(j * 16, 16)] = cx
        cys[pl.ds(j * 16, 16)] = cy
        czs[pl.ds(j * 16, 16)] = cz
        base = (j * 16 + lanes) * 3
        plsc.store_scatter(cen_buf, [base], cx)
        plsc.store_scatter(cen_buf, [base + 1], cy)
        plsc.store_scatter(cen_buf, [base + 2], cz)
        return carry

    lax.fori_loop(0, 8, cen_step, 0)
    pltpu.sync_copy(cen_buf, cen_hbm.at[pl.ds(row0 * 3, 384)])

    def row(g, carry):
        slot = g % 2
        oslot = 1 - slot
        gg = h * 128 + g
        cx = cxs[pl.ds(g, 16)][0]
        cy = cys[pl.ds(g, 16)][0]
        cz = czs[pl.ds(g, 16)][0]

        @plsc.parallel_loop(0, _N, 16, unroll=8, carry=(inf16, inf16))
        def dloop(j, c):
            t0, t1 = c
            xv = x_t[pl.ds(j, 16)]
            yv = y_t[pl.ds(j, 16)]
            zv = z_t[pl.ds(j, 16)]
            dx = xv - cx
            dy = yv - cy
            dz = zv - cz
            d = dx * dx + dy * dy + dz * dz
            d_buf[pl.ds(j, 16)] = d
            nt0 = jnp.minimum(t0, d)
            nt1 = jnp.minimum(t1, jnp.maximum(t0, d))
            return nt0, nt1

        t0, t1 = dloop
        T = jnp.max(t1)

        @plsc.parallel_loop(0, _N, 16, unroll=4, carry=jnp.int32(0))
        def cloop(j, cur):
            d = d_buf[pl.ds(j, 16)]
            m = d <= T
            cnt = jnp.max(plsc.all_reduce_population_count(m))
            plsc.store_compressed(cand_d.at[pl.ds(cur, 16)], d, mask=m)
            plsc.store_compressed(cand_i.at[pl.ds(cur, 16)], j + lanes,
                                  mask=m)
            return cur + cnt

        C = cloop
        cand_d[pl.ds(C, 16)] = inf16
        cand_d[pl.ds(C + 16, 16)] = inf16

        def mstep(t, R):
            rd0, rd1, ri0, ri1 = R
            base = t * 32
            a_d = cand_d[pl.ds(base, 16)]
            a_i = cand_i[pl.ds(base, 16)]
            b_d = cand_d[pl.ds(base + 16, 16)]
            b_i = cand_i[pl.ds(base + 16, 16)]
            a_d, a_i = plsc.sort_key_val(a_d, a_i)
            b_d, b_i = plsc.sort_key_val(b_d, b_i)
            s0d, s0i, s1d, s1i = _merge16(a_d, a_i, b_d, b_i)
            rs0d, rs0i = _rev(s1d), _rev(s1i)
            rs1d, rs1i = _rev(s0d), _rev(s0i)
            m0 = rd0 <= rs0d
            l0d = jnp.where(m0, rd0, rs0d)
            l0i = jnp.where(m0, ri0, rs0i)
            m1 = rd1 <= rs1d
            l1d = jnp.where(m1, rd1, rs1d)
            l1i = jnp.where(m1, ri1, rs1i)
            mm = l0d <= l1d
            u0d = jnp.where(mm, l0d, l1d)
            u0i = jnp.where(mm, l0i, l1i)
            u1d = jnp.where(mm, l1d, l0d)
            u1i = jnp.where(mm, l1i, l0i)
            u0d, u0i = plsc.sort_key_val(u0d, u0i)
            u1d, u1i = plsc.sort_key_val(u1d, u1i)
            return u0d, u1d, u0i, u1i

        ntrip = (C + 31) // 32
        rd0, rd1, ri0, ri1 = lax.fori_loop(
            0, ntrip, mstep, (inf16, inf16, zero16, zero16))

        @pl.when(g >= 1)
        def _():
            pltpu.make_async_copy(
                feat_hbm.at[idx_buf.at[oslot]], fstage.at[oslot],
                gsem.at[oslot]).wait()
            pltpu.async_copy(
                fstage.at[oslot], fout_hbm.at[row0 + g - 1],
                osem.at[oslot])

        @pl.when(g >= 2)
        def _():
            pltpu.make_async_copy(
                fstage.at[slot], fout_hbm.at[row0 + g - 2],
                osem.at[slot]).wait()

        gi0 = ri0 + b * _N
        gi1 = ri1 + b * _N
        idx_buf[slot, pl.ds(0, 16)] = gi0
        idx_buf[slot, pl.ds(16, 16)] = gi1
        pltpu.async_copy(feat_hbm.at[idx_buf.at[slot]], fstage.at[slot],
                         gsem.at[slot])

        nb0 = g * 96 + lanes * 3
        nb1 = nb0 + 48
        xg0 = plsc.load_gather(x_t, [ri0]) - cx
        yg0 = plsc.load_gather(y_t, [ri0]) - cy
        zg0 = plsc.load_gather(z_t, [ri0]) - cz
        plsc.store_scatter(nb_acc, [nb0], xg0)
        plsc.store_scatter(nb_acc, [nb0 + 1], yg0)
        plsc.store_scatter(nb_acc, [nb0 + 2], zg0)
        xg1 = plsc.load_gather(x_t, [ri1]) - cx
        yg1 = plsc.load_gather(y_t, [ri1]) - cy
        zg1 = plsc.load_gather(z_t, [ri1]) - cz
        plsc.store_scatter(nb_acc, [nb1], xg1)
        plsc.store_scatter(nb_acc, [nb1 + 1], yg1)
        plsc.store_scatter(nb_acc, [nb1 + 2], zg1)
        return carry

    lax.fori_loop(0, 128, row, 0)

    glast = h * 128 + 127
    pltpu.make_async_copy(
        feat_hbm.at[idx_buf.at[1]], fstage.at[1], gsem.at[1]).wait()
    pltpu.async_copy(fstage.at[1], fout_hbm.at[row0 + 127], osem.at[1])
    pltpu.make_async_copy(
        fstage.at[0], fout_hbm.at[row0 + 126], osem.at[0]).wait()
    pltpu.make_async_copy(
        fstage.at[1], fout_hbm.at[row0 + 127], osem.at[1]).wait()

    pltpu.sync_copy(nb_acc, nb_hbm.at[pl.ds(row0 * _K * 3, 128 * _K * 3)])


@functools.partial(jax.jit, static_argnames=("interpret",))
def _sc_pallas(x_flat, y_flat, z_flat, fidx_flat, feat_flat, interpret=False):
    return pl.kernel(
        _sc_body,
        out_type=(
            jax.ShapeDtypeStruct((_B * _G * _K * 3,), jnp.float32),
            jax.ShapeDtypeStruct((_B * _G * 3,), jnp.float32),
            jax.ShapeDtypeStruct((_B * _G, _K, _D), jnp.float32),
        ),
        mesh=plsc.VectorSubcoreMesh(core_axis_name="c", subcore_axis_name="s",
                                    num_cores=_NC, num_subcores=_NW // _NC),
        compiler_params=pltpu.CompilerParams(needs_layout_passes=False),
        scratch_types=[
            pltpu.VMEM((_N,), jnp.float32),
            pltpu.VMEM((_N,), jnp.float32),
            pltpu.VMEM((_N,), jnp.float32),
            pltpu.VMEM((128,), jnp.int32),
            pltpu.VMEM((144,), jnp.float32),
            pltpu.VMEM((144,), jnp.float32),
            pltpu.VMEM((144,), jnp.float32),
            pltpu.VMEM((384,), jnp.float32),
            pltpu.VMEM((_N,), jnp.float32),
            pltpu.VMEM((_N + 64,), jnp.float32),
            pltpu.VMEM((_N + 64,), jnp.int32),
            pltpu.VMEM((128 * _K * 3,), jnp.float32),
            pltpu.VMEM((2, _K), jnp.int32),
            pltpu.VMEM((2, _K, _D), jnp.float32),
            pltpu.SemaphoreType.DMA((2,)),
            pltpu.SemaphoreType.DMA((2,)),
        ],
        interpret=interpret,
    )(x_flat, y_flat, z_flat, fidx_flat, feat_flat)


def kernel(xyz, features):
    B, N, _ = xyz.shape
    D = features.shape[-1]
    xt = jnp.transpose(xyz, (2, 0, 1)).reshape(3, B, N // _LANES, _LANES)
    fidx = _fps_pallas(xt[0], xt[1], xt[2])
    fidx_flat = fidx[:, :, 0].T.reshape(B * _G)
    nb_flat, cen_flat, fout = _sc_pallas(
        xt[0].reshape(B * N), xt[1].reshape(B * N), xt[2].reshape(B * N),
        fidx_flat, features.reshape(B * N, D))
    return (nb_flat.reshape(B, _G, _K, 3), cen_flat.reshape(B, _G, 3),
            fout.reshape(B, _G, _K, D))

# --- scband reference (transcript-rebuilt; emitter-appended) ---
"""Pipeline reference for scband-group-532575945286 (READ-ONLY COPY).

The authoritative reference and input builder live on the scoring server;
editing this copy changes nothing except your own understanding.
"""

import jax, jax.numpy as jnp
import numpy as np

NUM_GROUP = 256
GROUP_SIZE = 32


def fps(xyz, npoint):
    B, N, _ = xyz.shape

    def single(pts):
        def step(state, _):
            dist, far = state
            centroid = pts[far]
            d = jnp.sum((pts - centroid) ** 2, axis=-1)
            dist = jnp.minimum(dist, d)
            new_far = jnp.argmax(dist).astype(jnp.int32)
            return (dist, new_far), far

        init = (jnp.full((N,), 1e10, pts.dtype), jnp.int32(0))
        _, idxs = jax.lax.scan(step, init, None, length=npoint)
        return pts[idxs]

    return jax.vmap(single)(xyz)


def knn_idx(xyz, center, k):
    # squared distances center->all points: [B, G, N]
    d = jnp.sum((center[:, :, None, :] - xyz[:, None, :, :]) ** 2, axis=-1)
    _, idx = jax.lax.top_k(-d, k)
    return idx


def setup_inputs(seed: int = 0):
    key = jax.random.key(seed)
    k1, k2 = jax.random.split(key)
    xyz = jax.random.normal(k1, (16, 4096, 3), dtype=jnp.float32)
    features = jax.random.normal(k2, (16, 4096, 256), dtype=jnp.float32)
    return {"xyz": xyz, "features": features}


def reference(xyz, features):
    B, N, _ = xyz.shape
    D = features.shape[-1]
    center = fps(xyz, NUM_GROUP)                      # [B, G, 3]
    idx = knn_idx(xyz, center, GROUP_SIZE)            # [B, G, k]
    idx_base = jnp.arange(B, dtype=idx.dtype).reshape(B, 1, 1) * N
    flat = (idx + idx_base).reshape(-1)
    neighborhood = xyz.reshape(B * N, 3)[flat].reshape(B, NUM_GROUP, GROUP_SIZE, 3)
    feature_group = features.reshape(B * N, D)[flat].reshape(B, NUM_GROUP, GROUP_SIZE, D)
    neighborhood = neighborhood - center[:, :, None, :]
    return (neighborhood, center, feature_group)

if __name__ == "__main__":
    import jax
    _d = setup_inputs()
    print(jax.jit(kernel)(*tuple(_d.values())))

</pallas_src>

<mosaic_0001>
#map = affine_map<(d0, d1) -> (0)>
#map1 = affine_map<(d0, d1) -> (0, 0)>
#map2 = affine_map<(d0, d1) -> (0, 0, 0)>
module attributes {stable_mosaic.version = 14 : i64} {
  func.func @_sc_body(%arg0: i32, %arg1: i32, %arg2: memref<65536xf32, #tpu.memory_space<hbm>>, %arg3: memref<65536xf32, #tpu.memory_space<hbm>>, %arg4: memref<65536xf32, #tpu.memory_space<hbm>>, %arg5: memref<4096xi32, #tpu.memory_space<hbm>>, %arg6: memref<65536x256xf32, #tpu.memory_space<hbm>>, %arg7: memref<393216xf32, #tpu.memory_space<hbm>>, %arg8: memref<12288xf32, #tpu.memory_space<hbm>>, %arg9: memref<4096x32x256xf32, #tpu.memory_space<hbm>>, %arg10: memref<4096xf32, #tpu.memory_space<vmem>>, %arg11: memref<4096xf32, #tpu.memory_space<vmem>>, %arg12: memref<4096xf32, #tpu.memory_space<vmem>>, %arg13: memref<128xi32, #tpu.memory_space<vmem>>, %arg14: memref<144xf32, #tpu.memory_space<vmem>>, %arg15: memref<144xf32, #tpu.memory_space<vmem>>, %arg16: memref<144xf32, #tpu.memory_space<vmem>>, %arg17: memref<384xf32, #tpu.memory_space<vmem>>, %arg18: memref<4096xf32, #tpu.memory_space<vmem>>, %arg19: memref<4160xf32, #tpu.memory_space<vmem>>, %arg20: memref<4160xi32, #tpu.memory_space<vmem>>, %arg21: memref<12288xf32, #tpu.memory_space<vmem>>, %arg22: memref<2x32xi32, #tpu.memory_space<vmem>>, %arg23: memref<2x32x256xf32, #tpu.memory_space<vmem>>, %arg24: memref<2x!tpu.dma_semaphore, #tpu.memory_space<semaphore_mem>>, %arg25: memref<2x!tpu.dma_semaphore, #tpu.memory_space<semaphore_mem>>) attributes {dimension_semantics = [#tpu.dimension_semantics<core_parallel>, #tpu.dimension_semantics<subcore_parallel>], iteration_bounds = array<i64: 2, 16>, scalar_prefetch = 0 : i64, scratch_operands = 16 : i64, tpu.core_type = #tpu.core_type<sc_vector_subcore>, window_params = [{transform_indices = #map}, {transform_indices = #map}, {transform_indices = #map}, {transform_indices = #map}, {transform_indices = #map1}, {transform_indices = #map}, {transform_indices = #map}, {transform_indices = #map2}]} {
    %mul3A = arith.constant 2 : i32
    %mul3A_0 = arith.muli %arg1, %mul3A : i32
    %add3A = arith.addi %mul3A_0, %arg0 : i32
    %jit3A = arith.constant 2 : i32
    %div3A = arith.divsi %add3A, %jit3A : i32
    %sign3A = arith.constant 0 : i32
    %sign3A_1 = arith.cmpi sgt, %add3A, %sign3A : i32
    %sign3A_2 = arith.extui %sign3A_1 : i1 to i32
    %sign3A_3 = arith.constant 0 : i32
    %sign3A_4 = arith.cmpi slt, %add3A, %sign3A_3 : i32
    %sign3A_5 = arith.extui %sign3A_4 : i1 to i32
    %sign3A_6 = arith.subi %sign3A_2, %sign3A_5 : i32
    %sign3A_7 = arith.constant 0 : i32
    %sign3A_8 = arith.cmpi sgt, %jit3A, %sign3A_7 : i32
    %sign3A_9 = arith.extui %sign3A_8 : i1 to i32
    %sign3A_10 = arith.constant 0 : i32
    %sign3A_11 = arith.cmpi slt, %jit3A, %sign3A_10 : i32
    %sign3A_12 = arith.extui %sign3A_11 : i1 to i32
    %sign3A_13 = arith.subi %sign3A_9, %sign3A_12 : i32
    %ne3A = arith.cmpi ne, %sign3A_6, %sign3A_13 : i32
    %rem3A = arith.remsi %add3A, %jit3A : i32
    %ne3A_14 = arith.constant 0 : i32
    %ne3A_15 = arith.cmpi ne, %rem3A, %ne3A_14 : i32
    %and3A = arith.andi %ne3A, %ne3A_15 : i1
    %sub3A = arith.constant 1 : i32
    %sub3A_16 = arith.subi %div3A, %sub3A : i32
    %select_n3A = arith.select %and3A, %sub3A_16, %div3A : i32
    %jit3A_17 = arith.constant 2 : i32
    %eq3A = arith.constant 0 : i32
    %eq3A_18 = arith.cmpi eq, %jit3A_17, %eq3A : i32
    %jit3A_19 = arith.constant 1 : i32
    %select_n3A_20 = arith.select %eq3A_18, %jit3A_19, %jit3A_17 : i32
    %rem3A_21 = arith.remsi %add3A, %select_n3A_20 : i32
    %ne3A_22 = arith.constant 0 : i32
    %ne3A_23 = arith.cmpi ne, %rem3A_21, %ne3A_22 : i32
    %lt3A = arith.constant 0 : i32
    %lt3A_24 = arith.cmpi slt, %rem3A_21, %lt3A : i32
    %lt3A_25 = arith.constant 0 : i32
    %lt3A_26 = arith.cmpi slt, %select_n3A_20, %lt3A_25 : i32
    %ne3A_27 = arith.xori %lt3A_24, %lt3A_26 : i1
    %and3A_28 = arith.andi %ne3A_27, %ne3A_23 : i1
    %add3A_29 = arith.addi %rem3A_21, %select_n3A_20 : i32
    %select_n3A_30 = arith.select %and3A_28, %add3A_29, %rem3A_21 : i32
    %mul3A_31 = arith.constant 256 : i32
    %mul3A_32 = arith.muli %select_n3A, %mul3A_31 : i32
    %mul3A_33 = arith.constant 128 : i32
    %mul3A_34 = arith.muli %select_n3A_30, %mul3A_33 : i32
    %add3A_35 = arith.addi %mul3A_32, %mul3A_34 : i32
    %iota3A = tpu.iota {dimensions = array<i32: 0>} : vector<16xi32>
    %broadcast_in_dim3A = arith.constant 1.000000e+30 : f32
    %broadcast_in_dim3A_36 = vector.broadcast %broadcast_in_dim3A : f32 to vector<16xf32>
    %broadcast_in_dim3A_37 = arith.constant 0 : i32
    %broadcast_in_dim3A_38 = vector.broadcast %broadcast_in_dim3A_37 : i32 to vector<16xi32>
    %mul3A_39 = arith.constant 4096 : i32
    %mul3A_40 = arith.muli %select_n3A, %mul3A_39 : i32
    "tpu.region"() ({
      %run_scoped3A = tpu.sem_alloc : memref<!tpu.dma_semaphore, #tpu.memory_space<semaphore_mem>>
      %dma_start3A_145 = tpu.memref_slice %arg2[%mul3A_40] : memref<65536xf32, #tpu.memory_space<hbm>> -> memref<4096xf32, #tpu.memory_space<hbm>>
      %dma_start3A_146 = tpu.memref_slice %arg2[%mul3A_40] : memref<65536xf32, #tpu.memory_space<hbm>> -> memref<4096xf32, #tpu.memory_space<hbm>>
      tpu.enqueue_dma source(%dma_start3A_146 : memref<4096xf32, #tpu.memory_space<hbm>>) target(%arg10 : memref<4096xf32, #tpu.memory_space<vmem>>) target_semaphore(%run_scoped3A : memref<!tpu.dma_semaphore, #tpu.memory_space<semaphore_mem>>)
      %dma_wait3A_147 = tpu.memref_slice %arg2[%mul3A_40] : memref<65536xf32, #tpu.memory_space<hbm>> -> memref<4096xf32, #tpu.memory_space<hbm>>
      %dma_wait3A_148 = tpu.memref_slice %arg2[%mul3A_40] : memref<65536xf32, #tpu.memory_space<hbm>> -> memref<4096xf32, #tpu.memory_space<hbm>>
      tpu.wait_dma2 semaphore(%run_scoped3A : memref<!tpu.dma_semaphore, #tpu.memory_space<semaphore_mem>>) src(%dma_wait3A_148 : memref<4096xf32, #tpu.memory_space<hbm>>) dst(%arg10 : memref<4096xf32, #tpu.memory_space<vmem>>)
      tpu.yield
    }) : () -> ()
    %mul3A_41 = arith.constant 4096 : i32
    %mul3A_42 = arith.muli %select_n3A, %mul3A_41 : i32
    "tpu.region"() ({
      %run_scoped3A = tpu.sem_alloc : memref<!tpu.dma_semaphore, #tpu.memory_space<semaphore_mem>>
      %dma_start3A_145 = tpu.memref_slice %arg3[%mul3A_42] : memref<65536xf32, #tpu.memory_space<hbm>> -> memref<4096xf32, #tpu.memory_space<hbm>>
      %dma_start3A_146 = tpu.memref_slice %arg3[%mul3A_42] : memref<65536xf32, #tpu.memory_space<hbm>> -> memref<4096xf32, #tpu.memory_space<hbm>>
      tpu.enqueue_dma source(%dma_start3A_146 : memref<4096xf32, #tpu.memory_space<hbm>>) target(%arg11 : memref<4096xf32, #tpu.memory_space<vmem>>) target_semaphore(%run_scoped3A : memref<!tpu.dma_semaphore, #tpu.memory_space<semaphore_mem>>)
      %dma_wait3A_147 = tpu.memref_slice %arg3[%mul3A_42] : memref<65536xf32, #tpu.memory_space<hbm>> -> memref<4096xf32, #tpu.memory_space<hbm>>
      %dma_wait3A_148 = tpu.memref_slice %arg3[%mul3A_42] : memref<65536xf32, #tpu.memory_space<hbm>> -> memref<4096xf32, #tpu.memory_space<hbm>>
      tpu.wait_dma2 semaphore(%run_scoped3A : memref<!tpu.dma_semaphore, #tpu.memory_space<semaphore_mem>>) src(%dma_wait3A_148 : memref<4096xf32, #tpu.memory_space<hbm>>) dst(%arg11 : memref<4096xf32, #tpu.memory_space<vmem>>)
      tpu.yield
    }) : () -> ()
    %mul3A_43 = arith.constant 4096 : i32
    %mul3A_44 = arith.muli %select_n3A, %mul3A_43 : i32
    "tpu.region"() ({
      %run_scoped3A = tpu.sem_alloc : memref<!tpu.dma_semaphore, #tpu.memory_space<semaphore_mem>>
      %dma_start3A_145 = tpu.memref_slice %arg4[%mul3A_44] : memref<65536xf32, #tpu.memory_space<hbm>> -> memref<4096xf32, #tpu.memory_space<hbm>>
      %dma_start3A_146 = tpu.memref_slice %arg4[%mul3A_44] : memref<65536xf32, #tpu.memory_space<hbm>> -> memref<4096xf32, #tpu.memory_space<hbm>>
      tpu.enqueue_dma source(%dma_start3A_146 : memref<4096xf32, #tpu.memory_space<hbm>>) target(%arg12 : memref<4096xf32, #tpu.memory_space<vmem>>) target_semaphore(%run_scoped3A : memref<!tpu.dma_semaphore, #tpu.memory_space<semaphore_mem>>)
      %dma_wait3A_147 = tpu.memref_slice %arg4[%mul3A_44] : memref<65536xf32, #tpu.memory_space<hbm>> -> memref<4096xf32, #tpu.memory_space<hbm>>
      %dma_wait3A_148 = tpu.memref_slice %arg4[%mul3A_44] : memref<65536xf32, #tpu.memory_space<hbm>> -> memref<4096xf32, #tpu.memory_space<hbm>>
      tpu.wait_dma2 semaphore(%run_scoped3A : memref<!tpu.dma_semaphore, #tpu.memory_space<semaphore_mem>>) src(%dma_wait3A_148 : memref<4096xf32, #tpu.memory_space<hbm>>) dst(%arg12 : memref<4096xf32, #tpu.memory_space<vmem>>)
      tpu.yield
    }) : () -> ()
    "tpu.region"() ({
      %run_scoped3A = tpu.sem_alloc : memref<!tpu.dma_semaphore, #tpu.memory_space<semaphore_mem>>
      %dma_start3A_145 = tpu.memref_slice %arg5[%add3A_35] : memref<4096xi32, #tpu.memory_space<hbm>> -> memref<128xi32, #tpu.memory_space<hbm>>
      %dma_start3A_146 = tpu.memref_slice %arg5[%add3A_35] : memref<4096xi32, #tpu.memory_space<hbm>> -> memref<128xi32, #tpu.memory_space<hbm>>
      tpu.enqueue_dma source(%dma_start3A_146 : memref<128xi32, #tpu.memory_space<hbm>>) target(%arg13 : memref<128xi32, #tpu.memory_space<vmem>>) target_semaphore(%run_scoped3A : memref<!tpu.dma_semaphore, #tpu.memory_space<semaphore_mem>>)
      %dma_wait3A_147 = tpu.memref_slice %arg5[%add3A_35] : memref<4096xi32, #tpu.memory_space<hbm>> -> memref<128xi32, #tpu.memory_space<hbm>>
      %dma_wait3A_148 = tpu.memref_slice %arg5[%add3A_35] : memref<4096xi32, #tpu.memory_space<hbm>> -> memref<128xi32, #tpu.memory_space<hbm>>
      tpu.wait_dma2 semaphore(%run_scoped3A : memref<!tpu.dma_semaphore, #tpu.memory_space<semaphore_mem>>) src(%dma_wait3A_148 : memref<128xi32, #tpu.memory_space<hbm>>) dst(%arg13 : memref<128xi32, #tpu.memory_space<vmem>>)
      tpu.yield
    }) : () -> ()
    %scan3A = arith.constant 0 : i32
    %scan3A_45 = arith.constant 0 : i32
    %scan3A_46 = arith.constant 8 : i32
    %scan3A_47 = arith.addi %scan3A_45, %scan3A_46 : i32
    %scan3A_48 = arith.constant 1 : i32
    scf.for %scan3A_145 = %scan3A_45 to %scan3A_47 step %scan3A_48  : i32 {
      %mul3A_146 = arith.constant 16 : i32
      %mul3A_147 = arith.muli %scan3A_145, %mul3A_146 : i32
      %get3A = arith.index_cast %mul3A_147 : i32 to index
      %get3A_148 = tpu.vector_load %arg13[%get3A] {strides = array<i32>} : memref<128xi32, #tpu.memory_space<vmem>>, vector<16xi32>,
      %gather3A = tpu.vector_load_idx %arg10[%get3A_148] : memref<4096xf32, #tpu.memory_space<vmem>>[vector<16xi32>], vector<16xf32>,
      %gather3A_149 = tpu.vector_load_idx %arg11[%get3A_148] : memref<4096xf32, #tpu.memory_space<vmem>>[vector<16xi32>], vector<16xf32>,
      %gather3A_150 = tpu.vector_load_idx %arg12[%get3A_148] : memref<4096xf32, #tpu.memory_space<vmem>>[vector<16xi32>], vector<16xf32>,
      %mul3A_151 = arith.constant 16 : i32
      %mul3A_152 = arith.muli %scan3A_145, %mul3A_151 : i32
      %swap3A = arith.index_cast %mul3A_152 : i32 to index
      %swap3A_153 = tpu.vector_load %arg14[%swap3A] {strides = array<i32>} : memref<144xf32, #tpu.memory_space<vmem>>, vector<16xf32>,
      tpu.vector_store %arg14[%swap3A], %gather3A {strides = array<i32>} : memref<144xf32, #tpu.memory_space<vmem>>, vector<16xf32>,
      %mul3A_154 = arith.constant 16 : i32
      %mul3A_155 = arith.muli %scan3A_145, %mul3A_154 : i32
      %swap3A_156 = arith.index_cast %mul3A_155 : i32 to index
      %swap3A_157 = tpu.vector_load %arg15[%swap3A_156] {strides = array<i32>} : memref<144xf32, #tpu.memory_space<vmem>>, vector<16xf32>,
      tpu.vector_store %arg15[%swap3A_156], %gather3A_149 {strides = array<i32>} : memref<144xf32, #tpu.memory_space<vmem>>, vector<16xf32>,
      %mul3A_158 = arith.constant 16 : i32
      %mul3A_159 = arith.muli %scan3A_145, %mul3A_158 : i32
      %swap3A_160 = arith.index_cast %mul3A_159 : i32 to index
      %swap3A_161 = tpu.vector_load %arg16[%swap3A_160] {strides = array<i32>} : memref<144xf32, #tpu.memory_space<vmem>>, vector<16xf32>,
      tpu.vector_store %arg16[%swap3A_160], %gather3A_150 {strides = array<i32>} : memref<144xf32, #tpu.memory_space<vmem>>, vector<16xf32>,
      %mul3A_162 = arith.constant 16 : i32
      %mul3A_163 = arith.muli %scan3A_145, %mul3A_162 : i32
      %add3A_164 = vector.broadcast %mul3A_163 : i32 to vector<16xi32>
      %add3A_165 = arith.addi %add3A_164, %iota3A : vector<16xi32>
      %mul3A_166 = arith.constant 3 : i32
      %mul3A_167 = vector.broadcast %mul3A_166 : i32 to vector<16xi32>
      %mul3A_168 = arith.muli %add3A_165, %mul3A_167 : vector<16xi32>
      tpu.vector_store_idx %arg17[%mul3A_168], %gather3A : memref<384xf32, #tpu.memory_space<vmem>>[vector<16xi32>], vector<16xf32>,
      %add3A_169 = arith.constant 1 : i32
      %add3A_170 = vector.broadcast %add3A_169 : i32 to vector<16xi32>
      %add3A_171 = arith.addi %mul3A_168, %add3A_170 : vector<16xi32>
      tpu.vector_store_idx %arg17[%add3A_171], %gather3A_149 : memref<384xf32, #tpu.memory_space<vmem>>[vector<16xi32>], vector<16xf32>,
      %add3A_172 = arith.constant 2 : i32
      %add3A_173 = vector.broadcast %add3A_172 : i32 to vector<16xi32>
      %add3A_174 = arith.addi %mul3A_168, %add3A_173 : vector<16xi32>
      tpu.vector_store_idx %arg17[%add3A_174], %gather3A_150 : memref<384xf32, #tpu.memory_space<vmem>>[vector<16xi32>], vector<16xf32>,
    }
    %scan3A_49 = arith.constant 8 : i32
    %mul3A_50 = arith.constant 3 : i32
    %mul3A_51 = arith.muli %add3A_35, %mul3A_50 : i32
    "tpu.region"() ({
      %run_scoped3A = tpu.sem_alloc : memref<!tpu.dma_semaphore, #tpu.memory_space<semaphore_mem>>
      %dma_start3A_145 = tpu.memref_slice %arg8[%mul3A_51] : memref<12288xf32, #tpu.memory_space<hbm>> -> memref<384xf32, #tpu.memory_space<hbm>>
      %dma_start3A_146 = tpu.memref_slice %arg8[%mul3A_51] : memref<12288xf32, #tpu.memory_space<hbm>> -> memref<384xf32, #tpu.memory_space<hbm>>
      tpu.enqueue_dma source(%arg17 : memref<384xf32, #tpu.memory_space<vmem>>) target(%dma_start3A_146 : memref<384xf32, #tpu.memory_space<hbm>>) target_semaphore(%run_scoped3A : memref<!tpu.dma_semaphore, #tpu.memory_space<semaphore_mem>>)
      %dma_wait3A_147 = tpu.memref_slice %arg8[%mul3A_51] : memref<12288xf32, #tpu.memory_space<hbm>> -> memref<384xf32, #tpu.memory_space<hbm>>
      %dma_wait3A_148 = tpu.memref_slice %arg8[%mul3A_51] : memref<12288xf32, #tpu.memory_space<hbm>> -> memref<384xf32, #tpu.memory_space<hbm>>
      tpu.wait_dma2 semaphore(%run_scoped3A : memref<!tpu.dma_semaphore, #tpu.memory_space<semaphore_mem>>) src(%arg17 : memref<384xf32, #tpu.memory_space<vmem>>) dst(%dma_wait3A_148 : memref<384xf32, #tpu.memory_space<hbm>>)
      tpu.yield
    }) : () -> ()
    %scan3A_52 = arith.constant 0 : i32
    %scan3A_53 = arith.constant 0 : i32
    %scan3A_54 = arith.constant 128 : i32
    %scan3A_55 = arith.addi %scan3A_53, %scan3A_54 : i32
    %scan3A_56 = arith.constant 1 : i32
    scf.for %scan3A_145 = %scan3A_53 to %scan3A_55 step %scan3A_56  : i32 {
      %jit3A_146 = arith.constant 2 : i32
      %eq3A_147 = arith.constant 0 : i32
      %eq3A_148 = arith.cmpi eq, %jit3A_146, %eq3A_147 : i32
      %jit3A_149 = arith.constant 1 : i32
      %select_n3A_150 = arith.select %eq3A_148, %jit3A_149, %jit3A_146 : i32
      %rem3A_151 = arith.remsi %scan3A_145, %select_n3A_150 : i32
      %ne3A_152 = arith.constant 0 : i32
      %ne3A_153 = arith.cmpi ne, %rem3A_151, %ne3A_152 : i32
      %lt3A_154 = arith.constant 0 : i32
      %lt3A_155 = arith.cmpi slt, %rem3A_151, %lt3A_154 : i32
      %lt3A_156 = arith.constant 0 : i32
      %lt3A_157 = arith.cmpi slt, %select_n3A_150, %lt3A_156 : i32
      %ne3A_158 = arith.xori %lt3A_155, %lt3A_157 : i1
      %and3A_159 = arith.andi %ne3A_158, %ne3A_153 : i1
      %add3A_160 = arith.addi %rem3A_151, %select_n3A_150 : i32
      %select_n3A_161 = arith.select %and3A_159, %add3A_160, %rem3A_151 : i32
      %sub3A_162 = arith.constant 1 : i32
      %sub3A_163 = arith.subi %sub3A_162, %select_n3A_161 : i32
      %mul3A_164 = arith.constant 128 : i32
      %mul3A_165 = arith.muli %select_n3A_30, %mul3A_164 : i32
      %add3A_166 = arith.addi %mul3A_165, %scan3A_145 : i32
      %get3A = arith.index_cast %scan3A_145 : i32 to index
      %get3A_167 = tpu.vector_load %arg14[%get3A] {strides = array<i32>} : memref<144xf32, #tpu.memory_space<vmem>>, vector<16xf32>,
      %slice3A = vector.extract_strided_slice %get3A_167 {offsets = [0], sizes = [1], strides = [1]} : vector<16xf32> to vector<1xf32>
      %squeeze3A = vector.extract %slice3A[0] : f32 from vector<1xf32>
      %get3A_168 = arith.index_cast %scan3A_145 : i32 to index
      %get3A_169 = tpu.vector_load %arg15[%get3A_168] {strides = array<i32>} : memref<144xf32, #tpu.memory_space<vmem>>, vector<16xf32>,
      %slice3A_170 = vector.extract_strided_slice %get3A_169 {offsets = [0], sizes = [1], strides = [1]} : vector<16xf32> to vector<1xf32>
      %squeeze3A_171 = vector.extract %slice3A_170[0] : f32 from vector<1xf32>
      %get3A_172 = arith.index_cast %scan3A_145 : i32 to index
      %get3A_173 = tpu.vector_load %arg16[%get3A_172] {strides = array<i32>} : memref<144xf32, #tpu.memory_space<vmem>>, vector<16xf32>,
      %slice3A_174 = vector.extract_strided_slice %get3A_173 {offsets = [0], sizes = [1], strides = [1]} : vector<16xf32> to vector<1xf32>
      %squeeze3A_175 = vector.extract %slice3A_174[0] : f32 from vector<1xf32>
      %parallel_loop3A = arith.constant 0 : i32
      %parallel_loop3A_176 = arith.constant 4096 : i32
      %parallel_loop3A_177 = arith.constant 16 : i32
      %parallel_loop3A_178:2 = scf.for %parallel_loop3A_300 = %parallel_loop3A to %parallel_loop3A_176 step %parallel_loop3A_177 iter_args(%parallel_loop3A_301 = %broadcast_in_dim3A_36, %parallel_loop3A_302 = %broadcast_in_dim3A_36) -> (vector<16xf32>, vector<16xf32>)  : i32 {
        %parallel_loop3A_303 = arith.index_cast %parallel_loop3A_300 : i32 to index
        %parallel_loop3A_304 = tpu.vector_load %arg10[%parallel_loop3A_303] {strides = array<i32>} : memref<4096xf32, #tpu.memory_space<vmem>>, vector<16xf32>,
        %parallel_loop3A_305 = arith.index_cast %parallel_loop3A_300 : i32 to index
        %parallel_loop3A_306 = tpu.vector_load %arg11[%parallel_loop3A_305] {strides = array<i32>} : memref<4096xf32, #tpu.memory_space<vmem>>, vector<16xf32>,
        %parallel_loop3A_307 = arith.index_cast %parallel_loop3A_300 : i32 to index
        %parallel_loop3A_308 = tpu.vector_load %arg12[%parallel_loop3A_307] {strides = array<i32>} : memref<4096xf32, #tpu.memory_space<vmem>>, vector<16xf32>,
        %parallel_loop3A_309 = vector.broadcast %squeeze3A : f32 to vector<16xf32>
        %parallel_loop3A_310 = arith.subf %parallel_loop3A_304, %parallel_loop3A_309 : vector<16xf32>
        %parallel_loop3A_311 = vector.broadcast %squeeze3A_171 : f32 to vector<16xf32>
        %parallel_loop3A_312 = arith.subf %parallel_loop3A_306, %parallel_loop3A_311 : vector<16xf32>
        %parallel_loop3A_313 = vector.broadcast %squeeze3A_175 : f32 to vector<16xf32>
        %parallel_loop3A_314 = arith.subf %parallel_loop3A_308, %parallel_loop3A_313 : vector<16xf32>
        %parallel_loop3A_315 = arith.mulf %parallel_loop3A_310, %parallel_loop3A_310 : vector<16xf32>
        %parallel_loop3A_316 = arith.mulf %parallel_loop3A_312, %parallel_loop3A_312 : vector<16xf32>
        %parallel_loop3A_317 = arith.addf %parallel_loop3A_315, %parallel_loop3A_316 : vector<16xf32>
        %parallel_loop3A_318 = arith.mulf %parallel_loop3A_314, %parallel_loop3A_314 : vector<16xf32>
        %parallel_loop3A_319 = arith.addf %parallel_loop3A_317, %parallel_loop3A_318 : vector<16xf32>
        %parallel_loop3A_320 = arith.index_cast %parallel_loop3A_300 : i32 to index
        %parallel_loop3A_321 = tpu.vector_load %arg18[%parallel_loop3A_320] {strides = array<i32>} : memref<4096xf32, #tpu.memory_space<vmem>>, vector<16xf32>,
        tpu.vector_store %arg18[%parallel_loop3A_320], %parallel_loop3A_319 {strides = array<i32>} : memref<4096xf32, #tpu.memory_space<vmem>>, vector<16xf32>,
        %parallel_loop3A_322 = arith.minimumf %parallel_loop3A_301, %parallel_loop3A_319 : vector<16xf32>
        %parallel_loop3A_323 = arith.maximumf %parallel_loop3A_301, %parallel_loop3A_319 : vector<16xf32>
        %parallel_loop3A_324 = arith.minimumf %parallel_loop3A_302, %parallel_loop3A_323 : vector<16xf32>
        scf.yield %parallel_loop3A_322, %parallel_loop3A_324 : vector<16xf32>, vector<16xf32>
      } {sc.loop_unroll_factor = 8 : i64, sc.parallel_access}
      %reduce_max3A = arith.constant true
      %reduce_max3A_179 = vector.broadcast %reduce_max3A : i1 to vector<16xi1>
      %reduce_max3A_180 = tpu.scan <max>, %parallel_loop3A_178#1 masked %reduce_max3A_179 : vector<16xf32>, vector<16xi1> -> vector<16xf32>
      %reduce_max3A_181 = vector.extract %reduce_max3A_180[15] : f32 from vector<16xf32>
      %parallel_loop3A_182 = arith.constant 0 : i32
      %parallel_loop3A_183 = arith.constant 4096 : i32
      %parallel_loop3A_184 = arith.constant 16 : i32
      %parallel_loop3A_185 = arith.constant 0 : i32
      %parallel_loop3A_186 = scf.for %parallel_loop3A_300 = %parallel_loop3A_182 to %parallel_loop3A_183 step %parallel_loop3A_184 iter_args(%parallel_loop3A_301 = %parallel_loop3A_185) -> (i32)  : i32 {
        %parallel_loop3A_302 = arith.index_cast %parallel_loop3A_300 : i32 to index
        %parallel_loop3A_303 = tpu.vector_load %arg18[%parallel_loop3A_302] {strides = array<i32>} : memref<4096xf32, #tpu.memory_space<vmem>>, vector<16xf32>,
        %parallel_loop3A_304 = vector.broadcast %reduce_max3A_181 : f32 to vector<16xf32>
        %parallel_loop3A_305 = arith.cmpf ole, %parallel_loop3A_303, %parallel_loop3A_304 : vector<16xf32>
        %parallel_loop3A_306 = tpu.all_reduce %parallel_loop3A_305 {dim = 0 : i64, kind = #tpu.reduction_kind<sum>} : vector<16xi1> -> vector<16xi32>
        %parallel_loop3A_307 = arith.constant true
        %parallel_loop3A_308 = vector.broadcast %parallel_loop3A_307 : i1 to vector<16xi1>
        %parallel_loop3A_309 = arith.constant -2147483648 : i32
        %parallel_loop3A_310 = vector.broadcast %parallel_loop3A_309 : i32 to vector<16xi32>
        %parallel_loop3A_311 = arith.xori %parallel_loop3A_306, %parallel_loop3A_310 : vector<16xi32>
        %parallel_loop3A_312 = tpu.scan <max>, %parallel_loop3A_311 masked %parallel_loop3A_308 : vector<16xi32>, vector<16xi1> -> vector<16xi32>
        %parallel_loop3A_313 = arith.xori %parallel_loop3A_312, %parallel_loop3A_310 : vector<16xi32>
        %parallel_loop3A_314 = vector.extract %parallel_loop3A_313[15] : i32 from vector<16xi32>
        %parallel_loop3A_315 = arith.index_cast %parallel_loop3A_301 : i32 to index
        %parallel_loop3A_316 = tpu.vector_load %arg19[%parallel_loop3A_315] masked %parallel_loop3A_305 {strides = array<i32>} : memref<4160xf32, #tpu.memory_space<vmem>>, vector<16xf32>, vector<16xi1>
        tpu.vector_store %arg19[%parallel_loop3A_315], %parallel_loop3A_303 masked %parallel_loop3A_305 {strides = array<i32>} : memref<4160xf32, #tpu.memory_space<vmem>>, vector<16xf32>, vector<16xi1>
        %parallel_loop3A_317 = vector.broadcast %parallel_loop3A_300 : i32 to vector<16xi32>
        %parallel_loop3A_318 = arith.addi %parallel_loop3A_317, %iota3A : vector<16xi32>
        %parallel_loop3A_319 = arith.index_cast %parallel_loop3A_301 : i32 to index
        %parallel_loop3A_320 = tpu.vector_load %arg20[%parallel_loop3A_319] masked %parallel_loop3A_305 {strides = array<i32>} : memref<4160xi32, #tpu.memory_space<vmem>>, vector<16xi32>, vector<16xi1>
        tpu.vector_store %arg20[%parallel_loop3A_319], %parallel_loop3A_318 masked %parallel_loop3A_305 {strides = array<i32>} : memref<4160xi32, #tpu.memory_space<vmem>>, vector<16xi32>, vector<16xi1>
        %parallel_loop3A_321 = arith.addi %parallel_loop3A_301, %parallel_loop3A_314 : i32
        scf.yield %parallel_loop3A_321 : i32
      } {sc.loop_unroll_factor = 4 : i64, sc.parallel_access}
      %swap3A = arith.index_cast %parallel_loop3A_186 : i32 to index
      %swap3A_187 = tpu.vector_load %arg19[%swap3A] {strides = array<i32>} : memref<4160xf32, #tpu.memory_space<vmem>>, vector<16xf32>,
      tpu.vector_store %arg19[%swap3A], %broadcast_in_dim3A_36 {strides = array<i32>} : memref<4160xf32, #tpu.memory_space<vmem>>, vector<16xf32>,
      %add3A_188 = arith.constant 16 : i32
      %add3A_189 = arith.addi %parallel_loop3A_186, %add3A_188 : i32
      %swap3A_190 = arith.index_cast %add3A_189 : i32 to index
      %swap3A_191 = tpu.vector_load %arg19[%swap3A_190] {strides = array<i32>} : memref<4160xf32, #tpu.memory_space<vmem>>, vector<16xf32>,
      tpu.vector_store %arg19[%swap3A_190], %broadcast_in_dim3A_36 {strides = array<i32>} : memref<4160xf32, #tpu.memory_space<vmem>>, vector<16xf32>,
      %add3A_192 = arith.constant 31 : i32
      %add3A_193 = arith.addi %parallel_loop3A_186, %add3A_192 : i32
      %jit3A_194 = arith.constant 32 : i32
      %div3A_195 = arith.divsi %add3A_193, %jit3A_194 : i32
      %sign3A_196 = arith.constant 0 : i32
      %sign3A_197 = arith.cmpi sgt, %add3A_193, %sign3A_196 : i32
      %sign3A_198 = arith.extui %sign3A_197 : i1 to i32
      %sign3A_199 = arith.constant 0 : i32
      %sign3A_200 = arith.cmpi slt, %add3A_193, %sign3A_199 : i32
      %sign3A_201 = arith.extui %sign3A_200 : i1 to i32
      %sign3A_202 = arith.subi %sign3A_198, %sign3A_201 : i32
      %sign3A_203 = arith.constant 0 : i32
      %sign3A_204 = arith.cmpi sgt, %jit3A_194, %sign3A_203 : i32
      %sign3A_205 = arith.extui %sign3A_204 : i1 to i32
      %sign3A_206 = arith.constant 0 : i32
      %sign3A_207 = arith.cmpi slt, %jit3A_194, %sign3A_206 : i32
      %sign3A_208 = arith.extui %sign3A_207 : i1 to i32
      %sign3A_209 = arith.subi %sign3A_205, %sign3A_208 : i32
      %ne3A_210 = arith.cmpi ne, %sign3A_202, %sign3A_209 : i32
      %rem3A_211 = arith.remsi %add3A_193, %jit3A_194 : i32
      %ne3A_212 = arith.constant 0 : i32
      %ne3A_213 = arith.cmpi ne, %rem3A_211, %ne3A_212 : i32
      %and3A_214 = arith.andi %ne3A_210, %ne3A_213 : i1
      %sub3A_215 = arith.constant 1 : i32
      %sub3A_216 = arith.subi %div3A_195, %sub3A_215 : i32
      %select_n3A_217 = arith.select %and3A_214, %sub3A_216, %div3A_195 : i32
      %while3A = arith.constant 0 : i32
      %while3A_218 = arith.subi %select_n3A_217, %while3A : i32
      %while3A_219 = arith.addi %while3A, %while3A_218 : i32
      %while3A_220 = arith.constant 1 : i32
      %while3A_221 = arith.divsi %while3A_218, %while3A_220 : i32
      %while3A_222 = arith.muli %while3A_221, %while3A_220 : i32
      %while3A_223 = arith.addi %while3A, %while3A_222 : i32
      %while3A_224 = arith.constant 1 : i32
      %while3A_225:4 = scf.for %while3A_300 = %while3A to %while3A_223 step %while3A_224 iter_args(%while3A_301 = %broadcast_in_dim3A_36, %while3A_302 = %broadcast_in_dim3A_36, %while3A_303 = %broadcast_in_dim3A_38, %while3A_304 = %broadcast_in_dim3A_38) -> (vector<16xf32>, vector<16xf32>, vector<16xi32>, vector<16xi32>)  : i32 {
        %mul3A_305 = arith.constant 32 : i32
        %mul3A_306 = arith.muli %while3A_300, %mul3A_305 : i32
        %get3A_307 = arith.index_cast %mul3A_306 : i32 to index
        %get3A_308 = tpu.vector_load %arg19[%get3A_307] {strides = array<i32>} : memref<4160xf32, #tpu.memory_space<vmem>>, vector<16xf32>,
        %get3A_309 = arith.index_cast %mul3A_306 : i32 to index
        %get3A_310 = tpu.vector_load %arg20[%get3A_309] {strides = array<i32>} : memref<4160xi32, #tpu.memory_space<vmem>>, vector<16xi32>,
        %add3A_311 = arith.constant 16 : i32
        %add3A_312 = arith.addi %mul3A_306, %add3A_311 : i32
        %get3A_313 = arith.index_cast %add3A_312 : i32 to index
        %get3A_314 = tpu.vector_load %arg19[%get3A_313] {strides = array<i32>} : memref<4160xf32, #tpu.memory_space<vmem>>, vector<16xf32>,
        %add3A_315 = arith.constant 16 : i32
        %add3A_316 = arith.addi %mul3A_306, %add3A_315 : i32
        %get3A_317 = arith.index_cast %add3A_316 : i32 to index
        %get3A_318 = tpu.vector_load %arg20[%get3A_317] {strides = array<i32>} : memref<4160xi32, #tpu.memory_space<vmem>>, vector<16xi32>,
        %masked_sort3A = arith.constant dense<true> : vector<16xi1>
        %masked_sort3A_319, %masked_sort3A_320, %masked_sort3A_321 = tpu.sort %get3A_308, %get3A_310 masked %masked_sort3A : (vector<16xf32>, vector<16xi32>, vector<16xi1>) -> (vector<16xi1>, vector<16xf32>, vector<16xi32>)
        %masked_sort3A_322 = arith.constant dense<true> : vector<16xi1>
        %masked_sort3A_323, %masked_sort3A_324, %masked_sort3A_325 = tpu.sort %get3A_314, %get3A_318 masked %masked_sort3A_322 : (vector<16xf32>, vector<16xi32>, vector<16xi1>) -> (vector<16xi1>, vector<16xf32>, vector<16xi32>)
        %rev3A = arith.constant 15 : i32
        %rev3A_326 = vector.broadcast %rev3A : i32 to vector<16xi32>
        %rev3A_327 = tpu.iota {dimensions = array<i32: 0>} : vector<16xi32>
        %rev3A_328 = arith.subi %rev3A_326, %rev3A_327 : vector<16xi32>
        %rev3A_329 = tpu.dynamic_gather %masked_sort3A_324[%rev3A_328] in [0] : vector<16xf32>, vector<16xi32> -> vector<16xf32>
        %rev3A_330 = arith.constant 15 : i32
        %rev3A_331 = vector.broadcast %rev3A_330 : i32 to vector<16xi32>
        %rev3A_332 = tpu.iota {dimensions = array<i32: 0>} : vector<16xi32>
        %rev3A_333 = arith.subi %rev3A_331, %rev3A_332 : vector<16xi32>
        %rev3A_334 = tpu.dynamic_gather %masked_sort3A_325[%rev3A_333] in [0] : vector<16xi32>, vector<16xi32> -> vector<16xi32>
        %le3A = arith.cmpf ole, %masked_sort3A_320, %rev3A_329 : vector<16xf32>
        %select_n3A_335 = arith.select %le3A, %masked_sort3A_320, %rev3A_329 : vector<16xi1>, vector<16xf32>
        %select_n3A_336 = arith.select %le3A, %masked_sort3A_321, %rev3A_334 : vector<16xi1>, vector<16xi32>
        %select_n3A_337 = arith.select %le3A, %rev3A_329, %masked_sort3A_320 : vector<16xi1>, vector<16xf32>
        %select_n3A_338 = arith.select %le3A, %rev3A_334, %masked_sort3A_321 : vector<16xi1>, vector<16xi32>
        %masked_sort3A_339 = arith.constant dense<true> : vector<16xi1>
        %masked_sort3A_340, %masked_sort3A_341, %masked_sort3A_342 = tpu.sort %select_n3A_335, %select_n3A_336 masked %masked_sort3A_339 : (vector<16xf32>, vector<16xi32>, vector<16xi1>) -> (vector<16xi1>, vector<16xf32>, vector<16xi32>)
        %masked_sort3A_343 = arith.constant dense<true> : vector<16xi1>
        %masked_sort3A_344, %masked_sort3A_345, %masked_sort3A_346 = tpu.sort %select_n3A_337, %select_n3A_338 masked %masked_sort3A_343 : (vector<16xf32>, vector<16xi32>, vector<16xi1>) -> (vector<16xi1>, vector<16xf32>, vector<16xi32>)
        %rev3A_347 = arith.constant 15 : i32
        %rev3A_348 = vector.broadcast %rev3A_347 : i32 to vector<16xi32>
        %rev3A_349 = tpu.iota {dimensions = array<i32: 0>} : vector<16xi32>
        %rev3A_350 = arith.subi %rev3A_348, %rev3A_349 : vector<16xi32>
        %rev3A_351 = tpu.dynamic_gather %masked_sort3A_345[%rev3A_350] in [0] : vector<16xf32>, vector<16xi32> -> vector<16xf32>
        %rev3A_352 = arith.constant 15 : i32
        %rev3A_353 = vector.broadcast %rev3A_352 : i32 to vector<16xi32>
        %rev3A_354 = tpu.iota {dimensions = array<i32: 0>} : vector<16xi32>
        %rev3A_355 = arith.subi %rev3A_353, %rev3A_354 : vector<16xi32>
        %rev3A_356 = tpu.dynamic_gather %masked_sort3A_346[%rev3A_355] in [0] : vector<16xi32>, vector<16xi32> -> vector<16xi32>
        %rev3A_357 = arith.constant 15 : i32
        %rev3A_358 = vector.broadcast %rev3A_357 : i32 to vector<16xi32>
        %rev3A_359 = tpu.iota {dimensions = array<i32: 0>} : vector<16xi32>
        %rev3A_360 = arith.subi %rev3A_358, %rev3A_359 : vector<16xi32>
        %rev3A_361 = tpu.dynamic_gather %masked_sort3A_341[%rev3A_360] in [0] : vector<16xf32>, vector<16xi32> -> vector<16xf32>
        %rev3A_362 = arith.constant 15 : i32
        %rev3A_363 = vector.broadcast %rev3A_362 : i32 to vector<16xi32>
        %rev3A_364 = tpu.iota {dimensions = array<i32: 0>} : vector<16xi32>
        %rev3A_365 = arith.subi %rev3A_363, %rev3A_364 : vector<16xi32>
        %rev3A_366 = tpu.dynamic_gather %masked_sort3A_342[%rev3A_365] in [0] : vector<16xi32>, vector<16xi32> -> vector<16xi32>
        %le3A_367 = arith.cmpf ole, %while3A_301, %rev3A_351 : vector<16xf32>
        %select_n3A_368 = arith.select %le3A_367, %while3A_301, %rev3A_351 : vector<16xi1>, vector<16xf32>
        %select_n3A_369 = arith.select %le3A_367, %while3A_303, %rev3A_356 : vector<16xi1>, vector<16xi32>
        %le3A_370 = arith.cmpf ole, %while3A_302, %rev3A_361 : vector<16xf32>
        %select_n3A_371 = arith.select %le3A_370, %while3A_302, %rev3A_361 : vector<16xi1>, vector<16xf32>
        %select_n3A_372 = arith.select %le3A_370, %while3A_304, %rev3A_366 : vector<16xi1>, vector<16xi32>
        %le3A_373 = arith.cmpf ole, %select_n3A_368, %select_n3A_371 : vector<16xf32>
        %select_n3A_374 = arith.select %le3A_373, %select_n3A_368, %select_n3A_371 : vector<16xi1>, vector<16xf32>
        %select_n3A_375 = arith.select %le3A_373, %select_n3A_369, %select_n3A_372 : vector<16xi1>, vector<16xi32>
        %select_n3A_376 = arith.select %le3A_373, %select_n3A_371, %select_n3A_368 : vector<16xi1>, vector<16xf32>
        %select_n3A_377 = arith.select %le3A_373, %select_n3A_372, %select_n3A_369 : vector<16xi1>, vector<16xi32>
        %masked_sort3A_378 = arith.constant dense<true> : vector<16xi1>
        %masked_sort3A_379, %masked_sort3A_380, %masked_sort3A_381 = tpu.sort %select_n3A_374, %select_n3A_375 masked %masked_sort3A_378 : (vector<16xf32>, vector<16xi32>, vector<16xi1>) -> (vector<16xi1>, vector<16xf32>, vector<16xi32>)
        %masked_sort3A_382 = arith.constant dense<true> : vector<16xi1>
        %masked_sort3A_383, %masked_sort3A_384, %masked_sort3A_385 = tpu.sort %select_n3A_376, %select_n3A_377 masked %masked_sort3A_382 : (vector<16xf32>, vector<16xi32>, vector<16xi1>) -> (vector<16xi1>, vector<16xf32>, vector<16xi32>)
        scf.yield %masked_sort3A_380, %masked_sort3A_384, %masked_sort3A_381, %masked_sort3A_385 : vector<16xf32>, vector<16xf32>, vector<16xi32>, vector<16xi32>
      }
      %while3A_226 = arith.constant 1 : i32
      %while3A_227:4 = scf.for %while3A_300 = %while3A_223 to %while3A_219 step %while3A_226 iter_args(%while3A_301 = %while3A_225#0, %while3A_302 = %while3A_225#1, %while3A_303 = %while3A_225#2, %while3A_304 = %while3A_225#3) -> (vector<16xf32>, vector<16xf32>, vector<16xi32>, vector<16xi32>)  : i32 {
        %mul3A_305 = arith.constant 32 : i32
        %mul3A_306 = arith.muli %while3A_300, %mul3A_305 : i32
        %get3A_307 = arith.index_cast %mul3A_306 : i32 to index
        %get3A_308 = tpu.vector_load %arg19[%get3A_307] {strides = array<i32>} : memref<4160xf32, #tpu.memory_space<vmem>>, vector<16xf32>,
        %get3A_309 = arith.index_cast %mul3A_306 : i32 to index
        %get3A_310 = tpu.vector_load %arg20[%get3A_309] {strides = array<i32>} : memref<4160xi32, #tpu.memory_space<vmem>>, vector<16xi32>,
        %add3A_311 = arith.constant 16 : i32
        %add3A_312 = arith.addi %mul3A_306, %add3A_311 : i32
        %get3A_313 = arith.index_cast %add3A_312 : i32 to index
        %get3A_314 = tpu.vector_load %arg19[%get3A_313] {strides = array<i32>} : memref<4160xf32, #tpu.memory_space<vmem>>, vector<16xf32>,
        %add3A_315 = arith.constant 16 : i32
        %add3A_316 = arith.addi %mul3A_306, %add3A_315 : i32
        %get3A_317 = arith.index_cast %add3A_316 : i32 to index
        %get3A_318 = tpu.vector_load %arg20[%get3A_317] {strides = array<i32>} : memref<4160xi32, #tpu.memory_space<vmem>>, vector<16xi32>,
        %masked_sort3A = arith.constant dense<true> : vector<16xi1>
        %masked_sort3A_319, %masked_sort3A_320, %masked_sort3A_321 = tpu.sort %get3A_308, %get3A_310 masked %masked_sort3A : (vector<16xf32>, vector<16xi32>, vector<16xi1>) -> (vector<16xi1>, vector<16xf32>, vector<16xi32>)
        %masked_sort3A_322 = arith.constant dense<true> : vector<16xi1>
        %masked_sort3A_323, %masked_sort3A_324, %masked_sort3A_325 = tpu.sort %get3A_314, %get3A_318 masked %masked_sort3A_322 : (vector<16xf32>, vector<16xi32>, vector<16xi1>) -> (vector<16xi1>, vector<16xf32>, vector<16xi32>)
        %rev3A = arith.constant 15 : i32
        %rev3A_326 = vector.broadcast %rev3A : i32 to vector<16xi32>
        %rev3A_327 = tpu.iota {dimensions = array<i32: 0>} : vector<16xi32>
        %rev3A_328 = arith.subi %rev3A_326, %rev3A_327 : vector<16xi32>
        %rev3A_329 = tpu.dynamic_gather %masked_sort3A_324[%rev3A_328] in [0] : vector<16xf32>, vector<16xi32> -> vector<16xf32>
        %rev3A_330 = arith.constant 15 : i32
        %rev3A_331 = vector.broadcast %rev3A_330 : i32 to vector<16xi32>
        %rev3A_332 = tpu.iota {dimensions = array<i32: 0>} : vector<16xi32>
        %rev3A_333 = arith.subi %rev3A_331, %rev3A_332 : vector<16xi32>
        %rev3A_334 = tpu.dynamic_gather %masked_sort3A_325[%rev3A_333] in [0] : vector<16xi32>, vector<16xi32> -> vector<16xi32>
        %le3A = arith.cmpf ole, %masked_sort3A_320, %rev3A_329 : vector<16xf32>
        %select_n3A_335 = arith.select %le3A, %masked_sort3A_320, %rev3A_329 : vector<16xi1>, vector<16xf32>
        %select_n3A_336 = arith.select %le3A, %masked_sort3A_321, %rev3A_334 : vector<16xi1>, vector<16xi32>
        %select_n3A_337 = arith.select %le3A, %rev3A_329, %masked_sort3A_320 : vector<16xi1>, vector<16xf32>
        %select_n3A_338 = arith.select %le3A, %rev3A_334, %masked_sort3A_321 : vector<16xi1>, vector<16xi32>
        %masked_sort3A_339 = arith.constant dense<true> : vector<16xi1>
        %masked_sort3A_340, %masked_sort3A_341, %masked_sort3A_342 = tpu.sort %select_n3A_335, %select_n3A_336 masked %masked_sort3A_339 : (vector<16xf32>, vector<16xi32>, vector<16xi1>) -> (vector<16xi1>, vector<16xf32>, vector<16xi32>)
        %masked_sort3A_343 = arith.constant dense<true> : vector<16xi1>
        %masked_sort3A_344, %masked_sort3A_345, %masked_sort3A_346 = tpu.sort %select_n3A_337, %select_n3A_338 masked %masked_sort3A_343 : (vector<16xf32>, vector<16xi32>, vector<16xi1>) -> (vector<16xi1>, vector<16xf32>, vector<16xi32>)
        %rev3A_347 = arith.constant 15 : i32
        %rev3A_348 = vector.broadcast %rev3A_347 : i32 to vector<16xi32>
        %rev3A_349 = tpu.iota {dimensions = array<i32: 0>} : vector<16xi32>
        %rev3A_350 = arith.subi %rev3A_348, %rev3A_349 : vector<16xi32>
        %rev3A_351 = tpu.dynamic_gather %masked_sort3A_345[%rev3A_350] in [0] : vector<16xf32>, vector<16xi32> -> vector<16xf32>
        %rev3A_352 = arith.constant 15 : i32
        %rev3A_353 = vector.broadcast %rev3A_352 : i32 to vector<16xi32>
        %rev3A_354 = tpu.iota {dimensions = array<i32: 0>} : vector<16xi32>
        %rev3A_355 = arith.subi %rev3A_353, %rev3A_354 : vector<16xi32>
        %rev3A_356 = tpu.dynamic_gather %masked_sort3A_346[%rev3A_355] in [0] : vector<16xi32>, vector<16xi32> -> vector<16xi32>
        %rev3A_357 = arith.constant 15 : i32
        %rev3A_358 = vector.broadcast %rev3A_357 : i32 to vector<16xi32>
        %rev3A_359 = tpu.iota {dimensions = array<i32: 0>} : vector<16xi32>
        %rev3A_360 = arith.subi %rev3A_358, %rev3A_359 : vector<16xi32>
        %rev3A_361 = tpu.dynamic_gather %masked_sort3A_341[%rev3A_360] in [0] : vector<16xf32>, vector<16xi32> -> vector<16xf32>
        %rev3A_362 = arith.constant 15 : i32
        %rev3A_363 = vector.broadcast %rev3A_362 : i32 to vector<16xi32>
        %rev3A_364 = tpu.iota {dimensions = array<i32: 0>} : vector<16xi32>
        %rev3A_365 = arith.subi %rev3A_363, %rev3A_364 : vector<16xi32>
        %rev3A_366 = tpu.dynamic_gather %masked_sort3A_342[%rev3A_365] in [0] : vector<16xi32>, vector<16xi32> -> vector<16xi32>
        %le3A_367 = arith.cmpf ole, %while3A_301, %rev3A_351 : vector<16xf32>
        %select_n3A_368 = arith.select %le3A_367, %while3A_301, %rev3A_351 : vector<16xi1>, vector<16xf32>
        %select_n3A_369 = arith.select %le3A_367, %while3A_303, %rev3A_356 : vector<16xi1>, vector<16xi32>
        %le3A_370 = arith.cmpf ole, %while3A_302, %rev3A_361 : vector<16xf32>
        %select_n3A_371 = arith.select %le3A_370, %while3A_302, %rev3A_361 : vector<16xi1>, vector<16xf32>
        %select_n3A_372 = arith.select %le3A_370, %while3A_304, %rev3A_366 : vector<16xi1>, vector<16xi32>
        %le3A_373 = arith.cmpf ole, %select_n3A_368, %select_n3A_371 : vector<16xf32>
        %select_n3A_374 = arith.select %le3A_373, %select_n3A_368, %select_n3A_371 : vector<16xi1>, vector<16xf32>
        %select_n3A_375 = arith.select %le3A_373, %select_n3A_369, %select_n3A_372 : vector<16xi1>, vector<16xi32>
        %select_n3A_376 = arith.select %le3A_373, %select_n3A_371, %select_n3A_368 : vector<16xi1>, vector<16xf32>
        %select_n3A_377 = arith.select %le3A_373, %select_n3A_372, %select_n3A_369 : vector<16xi1>, vector<16xi32>
        %masked_sort3A_378 = arith.constant dense<true> : vector<16xi1>
        %masked_sort3A_379, %masked_sort3A_380, %masked_sort3A_381 = tpu.sort %select_n3A_374, %select_n3A_375 masked %masked_sort3A_378 : (vector<16xf32>, vector<16xi32>, vector<16xi1>) -> (vector<16xi1>, vector<16xf32>, vector<16xi32>)
        %masked_sort3A_382 = arith.constant dense<true> : vector<16xi1>
        %masked_sort3A_383, %masked_sort3A_384, %masked_sort3A_385 = tpu.sort %select_n3A_376, %select_n3A_377 masked %masked_sort3A_382 : (vector<16xf32>, vector<16xi32>, vector<16xi1>) -> (vector<16xi1>, vector<16xf32>, vector<16xi32>)
        scf.yield %masked_sort3A_380, %masked_sort3A_384, %masked_sort3A_381, %masked_sort3A_385 : vector<16xf32>, vector<16xf32>, vector<16xi32>, vector<16xi32>
      }
      %ge3A = arith.constant 1 : i32
      %ge3A_228 = arith.cmpi sge, %scan3A_145, %ge3A : i32
      %convert_element_type3A = arith.extui %ge3A_228 : i1 to i32
      %cond3A = arith.constant 0 : i32
      %cond3A_229 = arith.cmpi ne, %convert_element_type3A, %cond3A : i32
      scf.if %cond3A_229 {
        %dma_wait3A_300 = arith.constant 0 : i32
        %dma_wait3A_301 = arith.constant 0 : i32
        %dma_wait3A_302 = tpu.memref_slice %arg23[%sub3A_163, %dma_wait3A_300, %dma_wait3A_301] : memref<2x32x256xf32, #tpu.memory_space<vmem>> -> memref<1x32x256xf32, #tpu.memory_space<vmem>>
        %dma_wait3A_303 = tpu.memref_squeeze %dma_wait3A_302 : memref<1x32x256xf32, #tpu.memory_space<vmem>> -> memref<32x256xf32, #tpu.memory_space<vmem>>
        %dma_wait3A_304 = arith.constant 0 : i32
        %dma_wait3A_305 = tpu.memref_slice %arg22[%sub3A_163, %dma_wait3A_304] : memref<2x32xi32, #tpu.memory_space<vmem>> -> memref<1x32xi32, #tpu.memory_space<vmem>>
        %dma_wait3A_306 = tpu.memref_squeeze %dma_wait3A_305 : memref<1x32xi32, #tpu.memory_space<vmem>> -> memref<32xi32, #tpu.memory_space<vmem>>
        %dma_wait3A_307 = arith.constant 0 : i32
        %dma_wait3A_308 = arith.constant 0 : i32
        %dma_wait3A_309 = tpu.memref_slice %arg6[%dma_wait3A_307, %dma_wait3A_308] : memref<65536x256xf32, #tpu.memory_space<hbm>> -> memref<65536x256xf32, #tpu.memory_space<hbm>>
        %dma_wait3A_310 = tpu.memref_slice %arg24[%sub3A_163] : memref<2x!tpu.dma_semaphore, #tpu.memory_space<semaphore_mem>> -> memref<1x!tpu.dma_semaphore, #tpu.memory_space<semaphore_mem>>
        %dma_wait3A_311 = tpu.memref_squeeze %dma_wait3A_310 : memref<1x!tpu.dma_semaphore, #tpu.memory_space<semaphore_mem>> -> memref<!tpu.dma_semaphore, #tpu.memory_space<semaphore_mem>>
        tpu.wait_indirect_dma semaphore(%dma_wait3A_311 : memref<!tpu.dma_semaphore, #tpu.memory_space<semaphore_mem>>) src(%dma_wait3A_309 : memref<65536x256xf32, #tpu.memory_space<hbm>>) dst(%dma_wait3A_303 : memref<32x256xf32, #tpu.memory_space<vmem>>)
        %add3A_312 = arith.addi %add3A_35, %scan3A_145 : i32
        %sub3A_313 = arith.constant 1 : i32
        %sub3A_314 = arith.subi %add3A_312, %sub3A_313 : i32
        %dma_start3A_315 = arith.constant 0 : i32
        %dma_start3A_316 = arith.constant 0 : i32
        %dma_start3A_317 = tpu.memref_slice %arg23[%sub3A_163, %dma_start3A_315, %dma_start3A_316] : memref<2x32x256xf32, #tpu.memory_space<vmem>> -> memref<1x32x256xf32, #tpu.memory_space<vmem>>
        %dma_start3A_318 = tpu.memref_squeeze %dma_start3A_317 : memref<1x32x256xf32, #tpu.memory_space<vmem>> -> memref<32x256xf32, #tpu.memory_space<vmem>>
        %dma_start3A_319 = arith.constant 0 : i32
        %dma_start3A_320 = arith.constant 0 : i32
        %dma_start3A_321 = tpu.memref_slice %arg9[%sub3A_314, %dma_start3A_319, %dma_start3A_320] : memref<4096x32x256xf32, #tpu.memory_space<hbm>> -> memref<1x32x256xf32, #tpu.memory_space<hbm>>
        %dma_start3A_322 = tpu.memref_squeeze %dma_start3A_321 : memref<1x32x256xf32, #tpu.memory_space<hbm>> -> memref<32x256xf32, #tpu.memory_space<hbm>>
        %dma_start3A_323 = tpu.memref_slice %arg25[%sub3A_163] : memref<2x!tpu.dma_semaphore, #tpu.memory_space<semaphore_mem>> -> memref<1x!tpu.dma_semaphore, #tpu.memory_space<semaphore_mem>>
        %dma_start3A_324 = tpu.memref_squeeze %dma_start3A_323 : memref<1x!tpu.dma_semaphore, #tpu.memory_space<semaphore_mem>> -> memref<!tpu.dma_semaphore, #tpu.memory_space<semaphore_mem>>
        %dma_start3A_325 = arith.constant 0 : i32
        %dma_start3A_326 = arith.constant 0 : i32
        %dma_start3A_327 = tpu.memref_slice %arg9[%sub3A_314, %dma_start3A_325, %dma_start3A_326] : memref<4096x32x256xf32, #tpu.memory_space<hbm>> -> memref<1x32x256xf32, #tpu.memory_space<hbm>>
        %dma_start3A_328 = tpu.memref_squeeze %dma_start3A_327 : memref<1x32x256xf32, #tpu.memory_space<hbm>> -> memref<32x256xf32, #tpu.memory_space<hbm>>
        %dma_start3A_329 = arith.constant 0 : i32
        %dma_start3A_330 = arith.constant 0 : i32
        %dma_start3A_331 = tpu.memref_slice %arg23[%sub3A_163, %dma_start3A_329, %dma_start3A_330] : memref<2x32x256xf32, #tpu.memory_space<vmem>> -> memref<1x32x256xf32, #tpu.memory_space<vmem>>
        %dma_start3A_332 = tpu.memref_squeeze %dma_start3A_331 : memref<1x32x256xf32, #tpu.memory_space<vmem>> -> memref<32x256xf32, #tpu.memory_space<vmem>>
        tpu.enqueue_dma source(%dma_start3A_332 : memref<32x256xf32, #tpu.memory_space<vmem>>) target(%dma_start3A_328 : memref<32x256xf32, #tpu.memory_space<hbm>>) target_semaphore(%dma_start3A_324 : memref<!tpu.dma_semaphore, #tpu.memory_space<semaphore_mem>>)
      } else {
      }
      %ge3A_230 = arith.constant 2 : i32
      %ge3A_231 = arith.cmpi sge, %scan3A_145, %ge3A_230 : i32
      %convert_element_type3A_232 = arith.extui %ge3A_231 : i1 to i32
      %cond3A_233 = arith.constant 0 : i32
      %cond3A_234 = arith.cmpi ne, %convert_element_type3A_232, %cond3A_233 : i32
      scf.if %cond3A_234 {
        %add3A_300 = arith.addi %add3A_35, %scan3A_145 : i32
        %sub3A_301 = arith.constant 2 : i32
        %sub3A_302 = arith.subi %add3A_300, %sub3A_301 : i32
        %dma_wait3A_303 = arith.constant 0 : i32
        %dma_wait3A_304 = arith.constant 0 : i32
        %dma_wait3A_305 = tpu.memref_slice %arg23[%select_n3A_161, %dma_wait3A_303, %dma_wait3A_304] : memref<2x32x256xf32, #tpu.memory_space<vmem>> -> memref<1x32x256xf32, #tpu.memory_space<vmem>>
        %dma_wait3A_306 = tpu.memref_squeeze %dma_wait3A_305 : memref<1x32x256xf32, #tpu.memory_space<vmem>> -> memref<32x256xf32, #tpu.memory_space<vmem>>
        %dma_wait3A_307 = arith.constant 0 : i32
        %dma_wait3A_308 = arith.constant 0 : i32
        %dma_wait3A_309 = tpu.memref_slice %arg9[%sub3A_302, %dma_wait3A_307, %dma_wait3A_308] : memref<4096x32x256xf32, #tpu.memory_space<hbm>> -> memref<1x32x256xf32, #tpu.memory_space<hbm>>
        %dma_wait3A_310 = tpu.memref_squeeze %dma_wait3A_309 : memref<1x32x256xf32, #tpu.memory_space<hbm>> -> memref<32x256xf32, #tpu.memory_space<hbm>>
        %dma_wait3A_311 = tpu.memref_slice %arg25[%select_n3A_161] : memref<2x!tpu.dma_semaphore, #tpu.memory_space<semaphore_mem>> -> memref<1x!tpu.dma_semaphore, #tpu.memory_space<semaphore_mem>>
        %dma_wait3A_312 = tpu.memref_squeeze %dma_wait3A_311 : memref<1x!tpu.dma_semaphore, #tpu.memory_space<semaphore_mem>> -> memref<!tpu.dma_semaphore, #tpu.memory_space<semaphore_mem>>
        %dma_wait3A_313 = arith.constant 0 : i32
        %dma_wait3A_314 = arith.constant 0 : i32
        %dma_wait3A_315 = tpu.memref_slice %arg9[%sub3A_302, %dma_wait3A_313, %dma_wait3A_314] : memref<4096x32x256xf32, #tpu.memory_space<hbm>> -> memref<1x32x256xf32, #tpu.memory_space<hbm>>
        %dma_wait3A_316 = tpu.memref_squeeze %dma_wait3A_315 : memref<1x32x256xf32, #tpu.memory_space<hbm>> -> memref<32x256xf32, #tpu.memory_space<hbm>>
        %dma_wait3A_317 = arith.constant 0 : i32
        %dma_wait3A_318 = arith.constant 0 : i32
        %dma_wait3A_319 = tpu.memref_slice %arg23[%select_n3A_161, %dma_wait3A_317, %dma_wait3A_318] : memref<2x32x256xf32, #tpu.memory_space<vmem>> -> memref<1x32x256xf32, #tpu.memory_space<vmem>>
        %dma_wait3A_320 = tpu.memref_squeeze %dma_wait3A_319 : memref<1x32x256xf32, #tpu.memory_space<vmem>> -> memref<32x256xf32, #tpu.memory_space<vmem>>
        tpu.wait_dma2 semaphore(%dma_wait3A_312 : memref<!tpu.dma_semaphore, #tpu.memory_space<semaphore_mem>>) src(%dma_wait3A_320 : memref<32x256xf32, #tpu.memory_space<vmem>>) dst(%dma_wait3A_316 : memref<32x256xf32, #tpu.memory_space<hbm>>)
      } else {
      }
      %mul3A_235 = arith.constant 4096 : i32
      %mul3A_236 = arith.muli %select_n3A, %mul3A_235 : i32
      %add3A_237 = vector.broadcast %mul3A_236 : i32 to vector<16xi32>
      %add3A_238 = arith.addi %while3A_227#2, %add3A_237 : vector<16xi32>
      %mul3A_239 = arith.constant 4096 : i32
      %mul3A_240 = arith.muli %select_n3A, %mul3A_239 : i32
      %add3A_241 = vector.broadcast %mul3A_240 : i32 to vector<16xi32>
      %add3A_242 = arith.addi %while3A_227#3, %add3A_241 : vector<16xi32>
      %swap3A_243 = arith.index_cast %select_n3A_161 : i32 to index
      %swap3A_244 = arith.constant 0 : index
      %swap3A_245 = tpu.vector_load %arg22[%swap3A_243, %swap3A_244] {strides = array<i32>} : memref<2x32xi32, #tpu.memory_space<vmem>>, vector<16xi32>,
      tpu.vector_store %arg22[%swap3A_243, %swap3A_244], %add3A_238 {strides = array<i32>} : memref<2x32xi32, #tpu.memory_space<vmem>>, vector<16xi32>,
      %swap3A_246 = arith.index_cast %select_n3A_161 : i32 to index
      %swap3A_247 = arith.constant 16 : index
      %swap3A_248 = tpu.vector_load %arg22[%swap3A_246, %swap3A_247] {strides = array<i32>} : memref<2x32xi32, #tpu.memory_space<vmem>>, vector<16xi32>,
      tpu.vector_store %arg22[%swap3A_246, %swap3A_247], %add3A_242 {strides = array<i32>} : memref<2x32xi32, #tpu.memory_space<vmem>>, vector<16xi32>,
      %dma_start3A_249 = arith.constant 0 : i32
      %dma_start3A_250 = arith.constant 0 : i32
      %dma_start3A_251 = tpu.memref_slice %arg23[%select_n3A_161, %dma_start3A_249, %dma_start3A_250] : memref<2x32x256xf32, #tpu.memory_space<vmem>> -> memref<1x32x256xf32, #tpu.memory_space<vmem>>
      %dma_start3A_252 = tpu.memref_squeeze %dma_start3A_251 : memref<1x32x256xf32, #tpu.memory_space<vmem>> -> memref<32x256xf32, #tpu.memory_space<vmem>>
      %dma_start3A_253 = arith.constant 0 : i32
      %dma_start3A_254 = tpu.memref_slice %arg22[%select_n3A_161, %dma_start3A_253] : memref<2x32xi32, #tpu.memory_space<vmem>> -> memref<1x32xi32, #tpu.memory_space<vmem>>
      %dma_start3A_255 = tpu.memref_squeeze %dma_start3A_254 : memref<1x32xi32, #tpu.memory_space<vmem>> -> memref<32xi32, #tpu.memory_space<vmem>>
      %dma_start3A_256 = arith.constant 0 : i32
      %dma_start3A_257 = arith.constant 0 : i32
      %dma_start3A_258 = tpu.memref_slice %arg6[%dma_start3A_256, %dma_start3A_257] : memref<65536x256xf32, #tpu.memory_space<hbm>> -> memref<65536x256xf32, #tpu.memory_space<hbm>>
      %dma_start3A_259 = tpu.memref_slice %arg24[%select_n3A_161] : memref<2x!tpu.dma_semaphore, #tpu.memory_space<semaphore_mem>> -> memref<1x!tpu.dma_semaphore, #tpu.memory_space<semaphore_mem>>
      %dma_start3A_260 = tpu.memref_squeeze %dma_start3A_259 : memref<1x!tpu.dma_semaphore, #tpu.memory_space<semaphore_mem>> -> memref<!tpu.dma_semaphore, #tpu.memory_space<semaphore_mem>>
      tpu.enqueue_indirect_dma source(%dma_start3A_258 : memref<65536x256xf32, #tpu.memory_space<hbm>>) target(%dma_start3A_252 : memref<32x256xf32, #tpu.memory_space<vmem>>) offsets(%dma_start3A_255 : memref<32xi32, #tpu.memory_space<vmem>>) semaphore(%dma_start3A_260 : memref<!tpu.dma_semaphore, #tpu.memory_space<semaphore_mem>>)
      %mul3A_261 = arith.constant 96 : i32
      %mul3A_262 = arith.muli %scan3A_145, %mul3A_261 : i32
      %mul3A_263 = arith.constant 3 : i32
      %mul3A_264 = vector.broadcast %mul3A_263 : i32 to vector<16xi32>
      %mul3A_265 = arith.muli %iota3A, %mul3A_264 : vector<16xi32>
      %add3A_266 = vector.broadcast %mul3A_262 : i32 to vector<16xi32>
      %add3A_267 = arith.addi %add3A_266, %mul3A_265 : vector<16xi32>
      %add3A_268 = arith.constant 48 : i32
      %add3A_269 = vector.broadcast %add3A_268 : i32 to vector<16xi32>
      %add3A_270 = arith.addi %add3A_267, %add3A_269 : vector<16xi32>
      %gather3A = tpu.vector_load_idx %arg10[%while3A_227#2] : memref<4096xf32, #tpu.memory_space<vmem>>[vector<16xi32>], vector<16xf32>,
      %sub3A_271 = vector.broadcast %squeeze3A : f32 to vector<16xf32>
      %sub3A_272 = arith.subf %gather3A, %sub3A_271 : vector<16xf32>
      %gather3A_273 = tpu.vector_load_idx %arg11[%while3A_227#2] : memref<4096xf32, #tpu.memory_space<vmem>>[vector<16xi32>], vector<16xf32>,
      %sub3A_274 = vector.broadcast %squeeze3A_171 : f32 to vector<16xf32>
      %sub3A_275 = arith.subf %gather3A_273, %sub3A_274 : vector<16xf32>
      %gather3A_276 = tpu.vector_load_idx %arg12[%while3A_227#2] : memref<4096xf32, #tpu.memory_space<vmem>>[vector<16xi32>], vector<16xf32>,
      %sub3A_277 = vector.broadcast %squeeze3A_175 : f32 to vector<16xf32>
      %sub3A_278 = arith.subf %gather3A_276, %sub3A_277 : vector<16xf32>
      tpu.vector_store_idx %arg21[%add3A_267], %sub3A_272 : memref<12288xf32, #tpu.memory_space<vmem>>[vector<16xi32>], vector<16xf32>,
      %add3A_279 = arith.constant 1 : i32
      %add3A_280 = vector.broadcast %add3A_279 : i32 to vector<16xi32>
      %add3A_281 = arith.addi %add3A_267, %add3A_280 : vector<16xi32>
      tpu.vector_store_idx %arg21[%add3A_281], %sub3A_275 : memref<12288xf32, #tpu.memory_space<vmem>>[vector<16xi32>], vector<16xf32>,
      %add3A_282 = arith.constant 2 : i32
      %add3A_283 = vector.broadcast %add3A_282 : i32 to vector<16xi32>
      %add3A_284 = arith.addi %add3A_267, %add3A_283 : vector<16xi32>
      tpu.vector_store_idx %arg21[%add3A_284], %sub3A_278 : memref<12288xf32, #tpu.memory_space<vmem>>[vector<16xi32>], vector<16xf32>,
      %gather3A_285 = tpu.vector_load_idx %arg10[%while3A_227#3] : memref<4096xf32, #tpu.memory_space<vmem>>[vector<16xi32>], vector<16xf32>,
      %sub3A_286 = vector.broadcast %squeeze3A : f32 to vector<16xf32>
      %sub3A_287 = arith.subf %gather3A_285, %sub3A_286 : vector<16xf32>
      %gather3A_288 = tpu.vector_load_idx %arg11[%while3A_227#3] : memref<4096xf32, #tpu.memory_space<vmem>>[vector<16xi32>], vector<16xf32>,
      %sub3A_289 = vector.broadcast %squeeze3A_171 : f32 to vector<16xf32>
      %sub3A_290 = arith.subf %gather3A_288, %sub3A_289 : vector<16xf32>
      %gather3A_291 = tpu.vector_load_idx %arg12[%while3A_227#3] : memref<4096xf32, #tpu.memory_space<vmem>>[vector<16xi32>], vector<16xf32>,
      %sub3A_292 = vector.broadcast %squeeze3A_175 : f32 to vector<16xf32>
      %sub3A_293 = arith.subf %gather3A_291, %sub3A_292 : vector<16xf32>
      tpu.vector_store_idx %arg21[%add3A_270], %sub3A_287 : memref<12288xf32, #tpu.memory_space<vmem>>[vector<16xi32>], vector<16xf32>,
      %add3A_294 = arith.constant 1 : i32
      %add3A_295 = vector.broadcast %add3A_294 : i32 to vector<16xi32>
      %add3A_296 = arith.addi %add3A_270, %add3A_295 : vector<16xi32>
      tpu.vector_store_idx %arg21[%add3A_296], %sub3A_290 : memref<12288xf32, #tpu.memory_space<vmem>>[vector<16xi32>], vector<16xf32>,
      %add3A_297 = arith.constant 2 : i32
      %add3A_298 = vector.broadcast %add3A_297 : i32 to vector<16xi32>
      %add3A_299 = arith.addi %add3A_270, %add3A_298 : vector<16xi32>
      tpu.vector_store_idx %arg21[%add3A_299], %sub3A_293 : memref<12288xf32, #tpu.memory_space<vmem>>[vector<16xi32>], vector<16xf32>,
    }
    %scan3A_57 = arith.constant 128 : i32
    %mul3A_58 = arith.constant 128 : i32
    %mul3A_59 = arith.muli %select_n3A_30, %mul3A_58 : i32
    %add3A_60 = arith.constant 127 : i32
    %add3A_61 = arith.addi %mul3A_59, %add3A_60 : i32
    %dma_wait3A = arith.constant 1 : i32
    %dma_wait3A_62 = arith.constant 1 : i32
    %dma_wait3A_63 = arith.constant 1 : i32
    %dma_wait3A_64 = arith.constant 0 : i32
    %dma_wait3A_65 = arith.constant 0 : i32
    %dma_wait3A_66 = tpu.memref_slice %arg23[%dma_wait3A_62, %dma_wait3A_64, %dma_wait3A_65] : memref<2x32x256xf32, #tpu.memory_space<vmem>> -> memref<1x32x256xf32, #tpu.memory_space<vmem>>
    %dma_wait3A_67 = tpu.memref_squeeze %dma_wait3A_66 : memref<1x32x256xf32, #tpu.memory_space<vmem>> -> memref<32x256xf32, #tpu.memory_space<vmem>>
    %dma_wait3A_68 = arith.constant 0 : i32
    %dma_wait3A_69 = tpu.memref_slice %arg22[%dma_wait3A, %dma_wait3A_68] : memref<2x32xi32, #tpu.memory_space<vmem>> -> memref<1x32xi32, #tpu.memory_space<vmem>>
    %dma_wait3A_70 = tpu.memref_squeeze %dma_wait3A_69 : memref<1x32xi32, #tpu.memory_space<vmem>> -> memref<32xi32, #tpu.memory_space<vmem>>
    %dma_wait3A_71 = arith.constant 0 : i32
    %dma_wait3A_72 = arith.constant 0 : i32
    %dma_wait3A_73 = tpu.memref_slice %arg6[%dma_wait3A_71, %dma_wait3A_72] : memref<65536x256xf32, #tpu.memory_space<hbm>> -> memref<65536x256xf32, #tpu.memory_space<hbm>>
    %dma_wait3A_74 = tpu.memref_slice %arg24[%dma_wait3A_63] : memref<2x!tpu.dma_semaphore, #tpu.memory_space<semaphore_mem>> -> memref<1x!tpu.dma_semaphore, #tpu.memory_space<semaphore_mem>>
    %dma_wait3A_75 = tpu.memref_squeeze %dma_wait3A_74 : memref<1x!tpu.dma_semaphore, #tpu.memory_space<semaphore_mem>> -> memref<!tpu.dma_semaphore, #tpu.memory_space<semaphore_mem>>
    tpu.wait_indirect_dma semaphore(%dma_wait3A_75 : memref<!tpu.dma_semaphore, #tpu.memory_space<semaphore_mem>>) src(%dma_wait3A_73 : memref<65536x256xf32, #tpu.memory_space<hbm>>) dst(%dma_wait3A_67 : memref<32x256xf32, #tpu.memory_space<vmem>>)
    %add3A_76 = arith.constant 127 : i32
    %add3A_77 = arith.addi %add3A_35, %add3A_76 : i32
    %dma_start3A = arith.constant 1 : i32
    %dma_start3A_78 = arith.constant 1 : i32
    %dma_start3A_79 = arith.constant 0 : i32
    %dma_start3A_80 = arith.constant 0 : i32
    %dma_start3A_81 = tpu.memref_slice %arg23[%dma_start3A, %dma_start3A_79, %dma_start3A_80] : memref<2x32x256xf32, #tpu.memory_space<vmem>> -> memref<1x32x256xf32, #tpu.memory_space<vmem>>
    %dma_start3A_82 = tpu.memref_squeeze %dma_start3A_81 : memref<1x32x256xf32, #tpu.memory_space<vmem>> -> memref<32x256xf32, #tpu.memory_space<vmem>>
    %dma_start3A_83 = arith.constant 0 : i32
    %dma_start3A_84 = arith.constant 0 : i32
    %dma_start3A_85 = tpu.memref_slice %arg9[%add3A_77, %dma_start3A_83, %dma_start3A_84] : memref<4096x32x256xf32, #tpu.memory_space<hbm>> -> memref<1x32x256xf32, #tpu.memory_space<hbm>>
    %dma_start3A_86 = tpu.memref_squeeze %dma_start3A_85 : memref<1x32x256xf32, #tpu.memory_space<hbm>> -> memref<32x256xf32, #tpu.memory_space<hbm>>
    %dma_start3A_87 = tpu.memref_slice %arg25[%dma_start3A_78] : memref<2x!tpu.dma_semaphore, #tpu.memory_space<semaphore_mem>> -> memref<1x!tpu.dma_semaphore, #tpu.memory_space<semaphore_mem>>
    %dma_start3A_88 = tpu.memref_squeeze %dma_start3A_87 : memref<1x!tpu.dma_semaphore, #tpu.memory_space<semaphore_mem>> -> memref<!tpu.dma_semaphore, #tpu.memory_space<semaphore_mem>>
    %dma_start3A_89 = arith.constant 0 : i32
    %dma_start3A_90 = arith.constant 0 : i32
    %dma_start3A_91 = tpu.memref_slice %arg9[%add3A_77, %dma_start3A_89, %dma_start3A_90] : memref<4096x32x256xf32, #tpu.memory_space<hbm>> -> memref<1x32x256xf32, #tpu.memory_space<hbm>>
    %dma_start3A_92 = tpu.memref_squeeze %dma_start3A_91 : memref<1x32x256xf32, #tpu.memory_space<hbm>> -> memref<32x256xf32, #tpu.memory_space<hbm>>
    %dma_start3A_93 = arith.constant 0 : i32
    %dma_start3A_94 = arith.constant 0 : i32
    %dma_start3A_95 = tpu.memref_slice %arg23[%dma_start3A, %dma_start3A_93, %dma_start3A_94] : memref<2x32x256xf32, #tpu.memory_space<vmem>> -> memref<1x32x256xf32, #tpu.memory_space<vmem>>
    %dma_start3A_96 = tpu.memref_squeeze %dma_start3A_95 : memref<1x32x256xf32, #tpu.memory_space<vmem>> -> memref<32x256xf32, #tpu.memory_space<vmem>>
    tpu.enqueue_dma source(%dma_start3A_96 : memref<32x256xf32, #tpu.memory_space<vmem>>) target(%dma_start3A_92 : memref<32x256xf32, #tpu.memory_space<hbm>>) target_semaphore(%dma_start3A_88 : memref<!tpu.dma_semaphore, #tpu.memory_space<semaphore_mem>>)
    %add3A_97 = arith.constant 126 : i32
    %add3A_98 = arith.addi %add3A_35, %add3A_97 : i32
    %dma_wait3A_99 = arith.constant 0 : i32
    %dma_wait3A_100 = arith.constant 0 : i32
    %dma_wait3A_101 = arith.constant 0 : i32
    %dma_wait3A_102 = arith.constant 0 : i32
    %dma_wait3A_103 = tpu.memref_slice %arg23[%dma_wait3A_99, %dma_wait3A_101, %dma_wait3A_102] : memref<2x32x256xf32, #tpu.memory_space<vmem>> -> memref<1x32x256xf32, #tpu.memory_space<vmem>>
    %dma_wait3A_104 = tpu.memref_squeeze %dma_wait3A_103 : memref<1x32x256xf32, #tpu.memory_space<vmem>> -> memref<32x256xf32, #tpu.memory_space<vmem>>
    %dma_wait3A_105 = arith.constant 0 : i32
    %dma_wait3A_106 = arith.constant 0 : i32
    %dma_wait3A_107 = tpu.memref_slice %arg9[%add3A_98, %dma_wait3A_105, %dma_wait3A_106] : memref<4096x32x256xf32, #tpu.memory_space<hbm>> -> memref<1x32x256xf32, #tpu.memory_space<hbm>>
    %dma_wait3A_108 = tpu.memref_squeeze %dma_wait3A_107 : memref<1x32x256xf32, #tpu.memory_space<hbm>> -> memref<32x256xf32, #tpu.memory_space<hbm>>
    %dma_wait3A_109 = tpu.memref_slice %arg25[%dma_wait3A_100] : memref<2x!tpu.dma_semaphore, #tpu.memory_space<semaphore_mem>> -> memref<1x!tpu.dma_semaphore, #tpu.memory_space<semaphore_mem>>
    %dma_wait3A_110 = tpu.memref_squeeze %dma_wait3A_109 : memref<1x!tpu.dma_semaphore, #tpu.memory_space<semaphore_mem>> -> memref<!tpu.dma_semaphore, #tpu.memory_space<semaphore_mem>>
    %dma_wait3A_111 = arith.constant 0 : i32
    %dma_wait3A_112 = arith.constant 0 : i32
    %dma_wait3A_113 = tpu.memref_slice %arg9[%add3A_98, %dma_wait3A_111, %dma_wait3A_112] : memref<4096x32x256xf32, #tpu.memory_space<hbm>> -> memref<1x32x256xf32, #tpu.memory_space<hbm>>
    %dma_wait3A_114 = tpu.memref_squeeze %dma_wait3A_113 : memref<1x32x256xf32, #tpu.memory_space<hbm>> -> memref<32x256xf32, #tpu.memory_space<hbm>>
    %dma_wait3A_115 = arith.constant 0 : i32
    %dma_wait3A_116 = arith.constant 0 : i32
    %dma_wait3A_117 = tpu.memref_slice %arg23[%dma_wait3A_99, %dma_wait3A_115, %dma_wait3A_116] : memref<2x32x256xf32, #tpu.memory_space<vmem>> -> memref<1x32x256xf32, #tpu.memory_space<vmem>>
    %dma_wait3A_118 = tpu.memref_squeeze %dma_wait3A_117 : memref<1x32x256xf32, #tpu.memory_space<vmem>> -> memref<32x256xf32, #tpu.memory_space<vmem>>
    tpu.wait_dma2 semaphore(%dma_wait3A_110 : memref<!tpu.dma_semaphore, #tpu.memory_space<semaphore_mem>>) src(%dma_wait3A_118 : memref<32x256xf32, #tpu.memory_space<vmem>>) dst(%dma_wait3A_114 : memref<32x256xf32, #tpu.memory_space<hbm>>)
    %add3A_119 = arith.constant 127 : i32
    %add3A_120 = arith.addi %add3A_35, %add3A_119 : i32
    %dma_wait3A_121 = arith.constant 1 : i32
    %dma_wait3A_122 = arith.constant 1 : i32
    %dma_wait3A_123 = arith.constant 0 : i32
    %dma_wait3A_124 = arith.constant 0 : i32
    %dma_wait3A_125 = tpu.memref_slice %arg23[%dma_wait3A_121, %dma_wait3A_123, %dma_wait3A_124] : memref<2x32x256xf32, #tpu.memory_space<vmem>> -> memref<1x32x256xf32, #tpu.memory_space<vmem>>
    %dma_wait3A_126 = tpu.memref_squeeze %dma_wait3A_125 : memref<1x32x256xf32, #tpu.memory_space<vmem>> -> memref<32x256xf32, #tpu.memory_space<vmem>>
    %dma_wait3A_127 = arith.constant 0 : i32
    %dma_wait3A_128 = arith.constant 0 : i32
    %dma_wait3A_129 = tpu.memref_slice %arg9[%add3A_120, %dma_wait3A_127, %dma_wait3A_128] : memref<4096x32x256xf32, #tpu.memory_space<hbm>> -> memref<1x32x256xf32, #tpu.memory_space<hbm>>
    %dma_wait3A_130 = tpu.memref_squeeze %dma_wait3A_129 : memref<1x32x256xf32, #tpu.memory_space<hbm>> -> memref<32x256xf32, #tpu.memory_space<hbm>>
    %dma_wait3A_131 = tpu.memref_slice %arg25[%dma_wait3A_122] : memref<2x!tpu.dma_semaphore, #tpu.memory_space<semaphore_mem>> -> memref<1x!tpu.dma_semaphore, #tpu.memory_space<semaphore_mem>>
    %dma_wait3A_132 = tpu.memref_squeeze %dma_wait3A_131 : memref<1x!tpu.dma_semaphore, #tpu.memory_space<semaphore_mem>> -> memref<!tpu.dma_semaphore, #tpu.memory_space<semaphore_mem>>
    %dma_wait3A_133 = arith.constant 0 : i32
    %dma_wait3A_134 = arith.constant 0 : i32
    %dma_wait3A_135 = tpu.memref_slice %arg9[%add3A_120, %dma_wait3A_133, %dma_wait3A_134] : memref<4096x32x256xf32, #tpu.memory_space<hbm>> -> memref<1x32x256xf32, #tpu.memory_space<hbm>>
    %dma_wait3A_136 = tpu.memref_squeeze %dma_wait3A_135 : memref<1x32x256xf32, #tpu.memory_space<hbm>> -> memref<32x256xf32, #tpu.memory_space<hbm>>
    %dma_wait3A_137 = arith.constant 0 : i32
    %dma_wait3A_138 = arith.constant 0 : i32
    %dma_wait3A_139 = tpu.memref_slice %arg23[%dma_wait3A_121, %dma_wait3A_137, %dma_wait3A_138] : memref<2x32x256xf32, #tpu.memory_space<vmem>> -> memref<1x32x256xf32, #tpu.memory_space<vmem>>
    %dma_wait3A_140 = tpu.memref_squeeze %dma_wait3A_139 : memref<1x32x256xf32, #tpu.memory_space<vmem>> -> memref<32x256xf32, #tpu.memory_space<vmem>>
    tpu.wait_dma2 semaphore(%dma_wait3A_132 : memref<!tpu.dma_semaphore, #tpu.memory_space<semaphore_mem>>) src(%dma_wait3A_140 : memref<32x256xf32, #tpu.memory_space<vmem>>) dst(%dma_wait3A_136 : memref<32x256xf32, #tpu.memory_space<hbm>>)
    %mul3A_141 = arith.constant 32 : i32
    %mul3A_142 = arith.muli %add3A_35, %mul3A_141 : i32
    %mul3A_143 = arith.constant 3 : i32
    %mul3A_144 = arith.muli %mul3A_142, %mul3A_143 : i32
    "tpu.region"() ({
      %run_scoped3A = tpu.sem_alloc : memref<!tpu.dma_semaphore, #tpu.memory_space<semaphore_mem>>
      %dma_start3A_145 = tpu.memref_slice %arg7[%mul3A_144] : memref<393216xf32, #tpu.memory_space<hbm>> -> memref<12288xf32, #tpu.memory_space<hbm>>
      %dma_start3A_146 = tpu.memref_slice %arg7[%mul3A_144] : memref<393216xf32, #tpu.memory_space<hbm>> -> memref<12288xf32, #tpu.memory_space<hbm>>
      tpu.enqueue_dma source(%arg21 : memref<12288xf32, #tpu.memory_space<vmem>>) target(%dma_start3A_146 : memref<12288xf32, #tpu.memory_space<hbm>>) target_semaphore(%run_scoped3A : memref<!tpu.dma_semaphore, #tpu.memory_space<semaphore_mem>>)
      %dma_wait3A_147 = tpu.memref_slice %arg7[%mul3A_144] : memref<393216xf32, #tpu.memory_space<hbm>> -> memref<12288xf32, #tpu.memory_space<hbm>>
      %dma_wait3A_148 = tpu.memref_slice %arg7[%mul3A_144] : memref<393216xf32, #tpu.memory_space<hbm>> -> memref<12288xf32, #tpu.memory_space<hbm>>
      tpu.wait_dma2 semaphore(%run_scoped3A : memref<!tpu.dma_semaphore, #tpu.memory_space<semaphore_mem>>) src(%arg21 : memref<12288xf32, #tpu.memory_space<vmem>>) dst(%dma_wait3A_148 : memref<12288xf32, #tpu.memory_space<hbm>>)
      tpu.yield
    }) : () -> ()
    return
  }
}

</mosaic_0001>

<sc_bundles>
// kernel: _sc_pallas.3.cloned.1.call-start
scs
__scs_entry_jumppad:
0x0: {  	(pc) =	sbr.rel $0x88, $3  }
0x1: {  	(tag) =	ssettag $0x0;
	lr =	simm.s32 $0x1  }
0x2: {  	[smem:$0x3F9C] =	sst lr;
	_ =	strace $0xD0000000  }
0x3: {  	_ = 	snop  }
0x4: {  	_ = 	snop  }
0x5: {  	_ = 	snop  }
0x6: {  	_ = 	snop  }
0x7: {  	_ = 	snop  }
__scs_overlays_trampoline_lowered:
0x8: {  	[smem:$0x3FAB] =	sst s0  }
0x9: {  	[smem:$0x3FAC] =	sst s1  }
0xa: {  	[smem:$0x3FAD] =	sst s2  }
0xb: {  	[smem:$0x3FAE] =	sst s3  }
0xc: {  	[smem:$0x3FAF] =	sst s4  }
0xd: {  	[smem:$0x3FB0] =	sst s5  }
0xe: {  	[smem:$0x3FB1] =	sst s6  }
0xf: {  	[smem:$0x3FB2] =	sst s7  }
0x10: {  	[smem:$0x3FB3] =	sst s8  }
0x11: {  	[smem:$0x3FB4] =	sst s9;
	s0 =	simm.s32 @!p0 $0x0  }
0x12: {  	s1 =	sld [smem:$0x3F9A];
	s0 =	simm.s32 @p0 $0x1  }
0x13: {  	[smem:$0x3FB5] =	sst s0;
	s0 =	simm.s32 @!p1 $0x0  }
0x14: {  	s2 =	sld [smem:$0x3F99];
	s0 =	simm.s32 @p1 $0x1  }
0x15: {  	[smem:$0x3FB6] =	sst s0;
	s0 =	simm.s32 @!p2 $0x0  }
0x16: {  	s3 =	sld [smem:$0x3FDB];
	s0 =	simm.s32 @p2 $0x1  }
0x17: {  	s4 =	simm.s32 $0x1BF5;
	[smem:$0x3FB8] =	sst s0  }
0x18: {  	s0 =	sld [smem:$0x3F9B];
	_ =	swait.ge [sflag:s4], $0x0  }
0x19: {  	s7 =	sld [smem:$0x3F9C]  }
0x1a: {  	s8 =	sadd.s32 $0xFFFFE003, lr  }
0x1b: {  	s9 =	sadd.s32 $0xFFFFFEF7, lr;
	s5 =	simm.s32 $0xFFFFFFFF;
	p2 =	slt.u32 s8, $0xFFFFF086  }
0x1c: {  	p1 =	slt.u32 s9, $0xF7A;
	s5 =	simm.s32 @!p2 $0x0  }
0x1d: {  	s5 =	simm.s32 @p1 $0x1;
	p0 =	seq.s32 s7, s2  }
0x1e: {  	s7 =	smul.u32 @!p0 $0xF7A, s2;
	p2 =	seq.s32 @!p0 s5, $0x0  }
0x1f: {  	s9 =	smul.u32 $0xF7A, s1;
	s8 =	simm.s32 @!p0 $0x1BF5;
	p2 =	por !p2, p0  }
0x20: {  	[sflag:s8] =	ssyncset.s32 @!p0 $0xFFFFF086;
	s6 =	sadd.s32 @!p0 s3, s7;
	s7 =	simm.s32 @!p0 $0x108  }
0x21: {  	s3 =	sadd.s32 s3, s9;
	s6 =	sadd.s32 @!p0 $0x88, s6;
	s7 =	simm.s32 @p2 $0x1082  }
0x22: {  	[simem:s7], [sflag:s8] =	dma.local @!p0 [hbm:s6], $0xF7A  }
0x23: {  	s9 =	sor.u32 $0xD0000000, s2;
	s6 =	simm.s32 $0x108;
	_ =	swait.ge @!p0 [sflag:s8], $0x0  }
0x24: {  	s3 =	sadd.s32 $0x88, s3;
	s6 =	simm.s32 @!p1 $0x1082;
	[sflag:s4] =	ssyncset.s32 $0xFFFFF086  }
0x25: {  	[simem:s6], [sflag:s4] =	dma.local [hbm:s3], $0xF7A  }
0x26: {  	[smem:$0x3F9C] =	sst s1;
	(tag) =	ssettag s2;
	_ =	strace s9  }
0x27: {  	s1 =	sld [smem:$0x3FAC]  }
0x28: {  	s2 =	sld [smem:$0x3FAD]  }
0x29: {  	s4 =	sld [smem:$0x3FAF]  }
0x2a: {  	p0 =	seq.s32 s5, $0x0;
	s5 =	sld [smem:$0x3FB0]  }
0x2b: {  	s6 =	sld [smem:$0x3FB1]  }
0x2c: {  	s7 =	sld [smem:$0x3FB2]  }
0x2d: {  	s3 =	simm.s32 $0x108;
	s8 =	sld [smem:$0x3FB3]  }
0x2e: {  	s3 =	simm.s32 @!p0 $0x1082;
	s9 =	sld [smem:$0x3FB4]  }
0x2f: {  	lr =	sadd.s32 s0, s3;
	s0 =	sld [smem:$0x3FAB]  }
0x30: {  	s3 =	sld [smem:$0x3FAE]  }
0x31: {  	[smem:$0x3FB7] =	sst s10  }
0x32: {  	s10 =	sld [smem:$0x3FB5];
	_ =	sdelay $0x3  }
0x33: {  	p0 =	seq.s32 s10, $0x1;
	s10 =	sld [smem:$0x3FB7];
	_ =	sdelay $0x3  }
0x34: {  	[smem:$0x3FB7] =	sst s10  }
0x35: {  	s10 =	sld [smem:$0x3FB6];
	_ =	sdelay $0x3  }
0x36: {  	p1 =	seq.s32 s10, $0x1;
	s10 =	sld [smem:$0x3FB7];
	_ =	sdelay $0x3  }
0x37: {  	[smem:$0x3FB7] =	sst s10  }
0x38: {  	s10 =	sld [smem:$0x3FB8]  }
0x39: {  	_ = 	snop;
	(pc) =	sbr.ind lr, $3  }
0x3a: {  	_ = 	snop  }
0x3b: {  	_ = 	snop  }
0x3c: {  	p2 =	seq.s32 s10, $0x1;
	s10 =	sld [smem:$0x3FB7]  }
0x3d: {  	_ =	shalt  }
0x3e: {  	_ =	shalt  }
0x3f: {  	_ =	shalt  }
0x40: {  	_ =	shalt  }
0x41: {  	_ =	shalt  }
0x42: {  	_ =	shalt  }
0x43: {  	_ =	shalt  }
0x44: {  	_ =	shalt  }
0x45: {  	_ =	shalt  }
0x46: {  	_ =	shalt  }
0x47: {  	_ =	shalt  }
0x48: {  	_ =	shalt  }
0x49: {  	_ =	shalt  }
0x4a: {  	_ =	shalt  }
0x4b: {  	_ =	shalt  }
0x4c: {  	_ =	shalt  }
0x4d: {  	_ =	shalt  }
0x4e: {  	_ =	shalt  }
0x4f: {  	_ =	shalt  }
0x50: {  	_ =	shalt  }
0x51: {  	_ =	shalt  }
0x52: {  	_ =	shalt  }
0x53: {  	_ =	shalt  }
0x54: {  	_ =	shalt  }
0x55: {  	_ =	shalt  }
0x56: {  	_ =	shalt  }
0x57: {  	_ =	shalt  }
0x58: {  	_ =	shalt  }
0x59: {  	_ =	shalt  }
0x5a: {  	_ =	shalt  }
0x5b: {  	_ =	shalt  }
0x5c: {  	_ =	shalt  }
0x5d: {  	_ =	shalt  }
0x5e: {  	_ =	shalt  }
0x5f: {  	_ =	shalt  }
0x60: {  	_ =	shalt  }
0x61: {  	_ =	shalt  }
0x62: {  	_ =	shalt  }
0x63: {  	_ =	shalt  }
0x64: {  	_ =	shalt  }
0x65: {  	_ =	shalt  }
0x66: {  	_ =	shalt  }
0x67: {  	_ =	shalt  }
0x68: {  	_ =	shalt  }
0x69: {  	_ =	shalt  }
0x6a: {  	_ =	shalt  }
0x6b: {  	_ =	shalt  }
0x6c: {  	_ =	shalt  }
0x6d: {  	_ =	shalt  }
0x6e: {  	_ =	shalt  }
0x6f: {  	_ =	shalt  }
0x70: {  	_ =	shalt  }
0x71: {  	_ =	shalt  }
0x72: {  	_ =	shalt  }
0x73: {  	_ =	shalt  }
0x74: {  	_ =	shalt  }
0x75: {  	_ =	shalt  }
0x76: {  	_ =	shalt  }
0x77: {  	_ =	shalt  }
0x78: {  	_ =	shalt  }
0x79: {  	_ =	shalt  }
0x7a: {  	_ =	shalt  }
0x7b: {  	_ =	shalt  }
0x7c: {  	_ =	shalt  }
0x7d: {  	_ =	shalt  }
0x7e: {  	_ =	shalt  }
0x7f: {  	_ =	shalt  }
0x80: {  	_ =	shalt  }
0x81: {  	_ =	shalt  }
0x82: {  	_ =	shalt  }
0x83: {  	_ =	shalt  }
0x84: {  	_ =	shalt  }
0x85: {  	_ =	shalt  }
0x86: {  	_ =	shalt  }
0x87: {  	_ =	shalt  }
.Lfunc_end0:
.L_simem_size_0:
called_computation_lowered:
.L_overlay_start_0:
0x88: {  	s2 =	sld [smem:$0x3FD9]  }
0x89: {  	s3 =	sld [smem:$0x3FFE];
	_ =	sdelay $0x1  }
0x8a: {  	s1 =	srdreg.scid  }
0x8b: {  	s0 =	sand.u32 $0x1, s1  }
0x8c: {  	s15 =	sshll.u32 s0, $0xA;
	s2 =	sadd.s32 s3, s2  }
0x8d: {  	s2 =	sadd.s32 s2, s15  }
0x8e: {  	[smem:$0x3FC3] =	sst s2  }
0x8f: {  	_ = 	snop  }
0x90: {  	s2 =	sld [smem:$0x3FC9]  }
0x91: {  	s16 =	sld [smem:$0x3FC8]  }
0x92: {  	s4 =	sld [smem:$0x3FD0]  }
0x93: {  	s5 =	sld [smem:$0x3FC7]  }
0x94: {  	s6 =	sld [smem:$0x3FC6]  }
0x95: {  	s8 =	simm.s32 $0xA;
	s9 =	simm.s32 $0x10;
	s7 =	sld [smem:$0x3FC5]  }
0x96: {  	[smem:s9], [sflag:s8] =	dma.local [hbm:s4], $0x1  }
0x97: {  	_ =	swait.eq [sflag:s8], $0x1  }
0x98: {  	s17 =	sld [smem:$0x10];
	[sflag:s8] =	ssyncset.done $0x0  }
0x99: {  	s18 =	sld [smem:$0x11];
	[sflag:s8] =	ssyncadd.s32 $0xFFFFFFFF  }
0x9a: {  	s19 =	sld [smem:$0x12];
	(tm) =	ssettm $0x1  }
0x9b: {  	s10 =	sld [smem:$0x3FFB];
	_ =	sdelay $0x3  }
0x9c: {  	_ =	strace s10  }
0x9d: {  	s10 =	sld [smem:$0x3FFC];
	_ =	sdelay $0x3  }
0x9e: {  	_ =	strace s10  }
0x9f: {  	s10 =	sld [smem:$0x3FFD];
	_ =	sdelay $0x3  }
0xa0: {  	_ =	strace s10  }
0xa1: {  	_ =	strace $0x8FFFFFFF  }
0xa2: {  	s20 =	sld [smem:$0x3FDB];
	_ =	sdelay $0x1  }
0xa3: {  	s11 =	simm.s32 $_scs_section_size  }
0xa4: {  	s12 =	simm.s32 $_size__tile_overlayer_lowered;
	s13 =	simm.s32 $_tile_overlayer_lowered  }
0xa5: {  	s23 =	simm.s32 $0x1BFF;
	s22 =	sshll.u32 s13, $0x1;
	s10 =	sadd.s32 s11, s20  }
0xa6: {  	s14 =	simm.s32 $0x0;
	s21 =	sshll.u32 s12, $0x1;
	s12 =	sadd.s32 s22, s10  }
0xa7: {  	[timem:s14], [sflag:s23] =	dma.local [hbm:s12], s21  }
0xa8: {  	_ =	swait.ge [sflag:s23], s21  }
0xa9: {  	s11 =	ssub.s32 $0x0, s21;
	[sflag:s23] =	ssyncset.done $0x0  }
0xaa: {  	[sflag:s23] =	ssyncadd.s32 s11;
	_ =	sdelay $0x1  }
0xab: {  	s24 =	simm.s32 $0x1B8B  }
0xac: {  	_ =	swait.ge [sflag:s24], $0x1  }
0xad: {  	[sflag:s24] =	ssyncset.done $0x0  }
0xae: {  	s25 =	simm.s32 $0x1B8E;
	[sflag:s24] =	ssyncadd.s32 $0xFFFFFFFF  }
0xaf: {  	s26 =	simm.s32 $execute0_lowered;
	[smem:$0x3FD2] =	sst s25  }
0xb0: {  	s11 =	sshll.u32 s26, $0x1;
	_ =	strace $0x80000046;
	[dreg:$0x1] =	wrdreg $0xFFFFFFFF  }
0xb1: {  	s28 =	simm.s32 $_size_execute0_lowered;
	s10 =	sadd.s32 s10, s11;
	[dreg:$0x0] =	wrdreg $0x0  }
0xb2: {  	s11 =	sshll.u32 s28, $0x1;
	[dreg:$0x2] =	wrdreg s10  }
0xb3: {  	[dreg:$0x3] =	wrdreg s11  }
0xb4: {  	[dreg:$0x4] =	wrdreg $0xC0  }
0xb5: {  	_ =	task [dreg:s14], $0x5FFFF  }
0xb6: {  	[dreg:$0x1] =	wrdreg $0xFFFFFFFF  }
0xb7: {  	[dreg:$0x0] =	wrdreg $0x60  }
0xb8: {  	[dreg:$0x2] =	wrdreg s2  }
0xb9: {  	[dreg:$0x3] =	wrdreg s16  }
0xba: {  	[dreg:$0x4] =	wrdreg s5  }
0xbb: {  	[dreg:$0x5] =	wrdreg s6  }
0xbc: {  	[dreg:$0x6] =	wrdreg s7  }
0xbd: {  	[dreg:$0x7] =	wrdreg s17  }
0xbe: {  	[dreg:$0x8] =	wrdreg s18  }
0xbf: {  	[dreg:$0x9] =	wrdreg s19  }
0xc0: {  	[dreg:$0xa] =	wrdreg $0x9  }
0xc1: {  	_ =	task.clear_ibuf [dreg:s14], $0xBFFFF;
	_ =	strace $0x90000046  }
0xc2: {  	s29 =	simm.s32 $0x9;
	_ =	strace $0x80000048  }
0xc3: {  	_ =	swait.ge [sflag:s29], $0x1  }
0xc4: {  	[sflag:s29] =	ssyncadd.s32 $0xFFFFFFFF  }
0xc5: {  	_ =	strace $0x90000048  }
0xc6: {  	_ =	sfence  }
0xc7: {  	s30 =	sld [smem:$0x0];
	_ =	sdelay $0x2  }
0xc8: {  	s31 =	sshll.u32 s1, $0xD;
	s1 =	sshrl.u32 s1, $0x2  }
0xc9: {  	s3 =	sand.u32 $0x4000, s31;
	s1 =	sadd.s32 s1, s30  }
0xca: {  	s0 =	sor.u32 s3, s0;
	s1 =	sshll.u32 s1, $0x11  }
0xcb: {  	s0 =	sor.u32 s1, s0  }
0xcc: {  	s0 =	sadd.s32 $0x8F2B, s0  }
0xcd: {  	[sflag:s0] =	ssyncadd.remote.s32 $0x1  }
0xce: {  	_ =	sfence.sel $0xFFFF  }
0xcf: {  	[dreg:$0x0] =	wrdreg $0xFFFFFFFF;
	(pc) =	sbr.abs _section_cstart, $3  }
0xd0: {  	[dreg:$0x1] =	wrdreg $0xFFFFFFFF  }
0xd1: {  	_ =	task.clear_ibuf [dreg:s14], $0x2FFFF;
	_ =	strace $0x9FFFFFFF  }
0xd2: {  	(tm) =	ssettm $0x7FFFFFFF  }
0xd3: {  	_ =	shalt  }
tec
execute0_lowered:
.L_overlay_start_1:
0x0: {  	(tag) =	ssettag $0x1  }
0x1: {  	s0 =	rddreg [dreg:$0x0]  }
0x2: {  	s2 =	rddreg [dreg:$0x1]  }
0x3: {  	s8 =	rddreg [dreg:$0x2]  }
0x4: {  	s9 =	rddreg [dreg:$0x3]  }
0x5: {  	s1 =	rddreg [dreg:$0x4]  }
0x6: {  	s3 =	srdreg.scid;
	s12 =	rddreg [dreg:$0x5]  }
0x7: {  	s13 =	stileid.u32;
	s10 =	rddreg [dreg:$0x6]  }
0x8: {  	s6 =	simm.s32 $0x1;
	s4 =	simm.s32 $0x0;
	s15 =	simm.s32 $0x1000  }
0x9: {  	s16 =	simm.s32 $0x2000;
	s17 =	simm.s32 $0x3380;
	s5 =	sand.u32 $0x1, s3  }
0xa: {  	s18 =	simm.s32 $0x6600;
	s19 =	simm.s32 $0x2;
	s3 =	sor.u32 s5, s13  }
0xb: {  	s21 =	simm.s32 $0x3;
	p1 =	seq.s32 s5, $0x1;
	p0 =	seq.s32 s3, $0x0  }
0xc: {  	s22 =	simm.s32 $0x4;
	s23 =	simm.s32 $0x0;
	p0 =	por !p0, !p1  }
0xd: {  	[smem:$0x7FF] =	sst s4;
	s7 =	ssub.s32 $0x2, s5;
	p0 =	por !p0, !p0  }
0xe: {  	s5 =	sshll.u32 s5, $0x7;
	s3 =	rddreg [dreg:$0x7];
	s6 =	simm.s32 @!p0 $0x0  }
0xf: {  	s11 =	sshrl.u32 s7, $0x1;
	_ =	strace $0x80000047;
	s6 =	ssub.s32 s13, s6  }
0x10: {  	s25 =	ssub.s32 s7, s11;
	s20 =	sshll.u32 s6, $0xC;
	s6 =	sshll.u32 s6, $0x8  }
0x11: {  	s13 =	smax.u32 s25, $0x1;
	s26 =	sshrl.u32 s20, $0x3;
	s5 =	sor.u32 s5, s6  }
0x12: {  	s0 =	sadd.s32 s0, s26;
	s7 =	sadd.s32 s2, s26;
	s28 =	smul.u32 $0x3, s5  }
.Ltmp0:
0x13: {  	s8 =	sadd.s32 s8, s26;
	s29 =	sshll.u32 s5, $0xA;
	(pc) =	sbr.rel .LBB2_1-.Ltmp0, $4  }
0x14: {  	v0 =	vlaneseq.u32;
	s30 =	sshrl.u32 s5, $0x3;
	s14 =	smul.u32 $0x60, s5;
	[dreg:$0x9] =	wrdreg s0  }
0x15: {  	v1 =	vmul.u32 $0x3, v0;
	s2 =	sand.u32 $0x1FFE0000, s29;
	s9 =	sadd.s32 s9, s30;
	s0 =	sshrl.u32 s28, $0x3  }
0x16: {  	s2 =	sadd.s32 s2, s3;
	s31 =	sshrl.u32 s14, $0x3;
	s14 =	simm.s32 $0x5  }
0x17: {  	v3 =	vadd.s32 $0x1, v1;
	v4 =	vadd.s32 $0x2, v1;
	v2 =	vmov s20;
	s10 =	sadd.s32 s10, s0;
	s11 =	sadd.s32 $0x1FC00, s2;
	s12 =	sadd.s32 s12, s31  }
.LBB2_19:
0x18: {  	_ =	swait.ge [sflag:s19], $0x2000  }
0x19: {  	[sflag:s19] =	ssyncset.done $0x0  }
0x1a: {  	s0 =	simm.s32 $0xB700;
	[sflag:s19] =	ssyncadd.s32 $0xFFFFE000  }
0x1b: {  	[hbm4b:s11+s4] =	stream.linear.scatter [tilespmem:s0], [sflag:$0x4], $0x2000, $0x38;
	[tilespmem:$0xD700] =	vst v63  }
0x1c: {  	_ =	swait.ge [sflag:s21], $0x2000  }
0x1d: {  	[sflag:s21] =	ssyncset.done $0x0  }
0x1e: {  	[sflag:s21] =	ssyncadd.s32 $0xFFFFE000  }
0x1f: {  	s23 =	sadd.s32 $0x1, s23;
	_ =	swait.ge [sflag:s22], $0x2000  }
0x20: {  	p0 =	sne.s32 s23, s13;
	[sflag:s22] =	ssyncset.done $0x0  }
.Ltmp1:
0x21: {  	[sflag:s22] =	ssyncadd.s32 $0xFFFFE000;
	(pc) =	sbr.rel @!p0 .LBB2_20-.Ltmp1, $4  }
0x22: {  	[hbm4b:s12+s4] =	stream.linear.scatter [tilespmem:s18], [sflag:$0x5], $0x3000, $0x38;
	[tilespmem:$0xD700] =	vst v63  }
0x23: {  	_ =	swait.ge [sflag:s14], $0x3000  }
0x24: {  	[sflag:s14] =	ssyncset.done $0x0  }
0x25: {  	[sflag:s14] =	ssyncadd.s32 $0xFFFFD000  }
.LBB2_1:
0x26: {  	s0 =	rddreg [dreg:$0x9]  }
0x27: {  	[tilespmem:s4], [sflag:$0x5] =	stream.linear.gather [hbm4b:s0+s4], $0x1000, $0x38;
	[tilespmem:$0xD700] =	vst v63  }
0x28: {  	_ =	swait.ge [sflag:s14], $0x1000  }
0x29: {  	[sflag:s14] =	ssyncset.done $0x0  }
0x2a: {  	[sflag:s14] =	ssyncadd.s32 $0xFFFFF000  }
0x2b: {  	[tilespmem:s15], [sflag:$0x5] =	stream.linear.gather [hbm4b:s7+s4], $0x1000, $0x38;
	[tilespmem:$0xD700] =	vst v63  }
0x2c: {  	_ =	swait.ge [sflag:s14], $0x1000  }
0x2d: {  	[sflag:s14] =	ssyncset.done $0x0  }
0x2e: {  	[sflag:s14] =	ssyncadd.s32 $0xFFFFF000  }
0x2f: {  	[tilespmem:s16], [sflag:$0x5] =	stream.linear.gather [hbm4b:s8+s4], $0x1000, $0x38;
	[tilespmem:$0xD700] =	vst v63  }
0x30: {  	_ =	swait.ge [sflag:s14], $0x1000  }
0x31: {  	[sflag:s14] =	ssyncset.done $0x0  }
0x32: {  	s0 =	simm.s32 $0x3000;
	[sflag:s14] =	ssyncadd.s32 $0xFFFFF000  }
0x33: {  	[tilespmem:s0], [sflag:$0x5] =	stream.linear.gather [hbm4b:s9+s4], $0x80, $0x38;
	[tilespmem:$0xD700] =	vst v63  }
0x34: {  	_ =	swait.ge [sflag:s14], $0x80  }
0x35: {  	[sflag:s14] =	ssyncset.done $0x0  }
0x36: {  	[sflag:s14] =	ssyncadd.s32 $0xFFFFFF80  }
0x37: {  	v5 =	vld [tilespmem:s0+$0x0];
	_ =	sdelay $0x5  }
0x38: {  	v6 =	vmov s4  }
0x39: {  	v6 =	vmul.u32 $0x3, v6  }
0x3a: {  	v7 =	vld.idx.msk [tilespmem:v5+s4+$0x0], $0xffff  }
0x3b: {  	v6 =	vbroadcast v6, $0x0;
	v8 =	vld.idx.msk [tilespmem:v5+s15+$0x0], $0xffff  }
0x3c: {  	v5 =	vld.idx.msk [tilespmem:v5+s16+$0x0], $0xffff  }
0x3d: {  	v9 =	vadd.s32 v1, v6  }
0x3e: {  	s2 =	simm.s32 $0x3080;
	v10 =	vadd.s32 v3, v6  }
0x3f: {  	s24 =	simm.s32 $0x3180;
	v6 =	vadd.s32 v4, v6;
	[tilespmem:s2+$0x0] =	vst v7  }
0x40: {  	s20 =	simm.s32 $0x3280;
	[tilespmem:s24+$0x0] =	vst v8  }
0x41: {  	[tilespmem:s20+$0x0] =	vst v5  }
0x42: {  	[tilespmem:v9+s17+$0x0] =	vst.idx.msk $0xffff, v7  }
0x43: {  	s25 =	simm.s32 $0x10;
	s26 =	simm.s32 $0x3290;
	[tilespmem:v10+s17+$0x0] =	vst.idx.msk $0xffff, v8  }
.LBB2_2:
0x44: {  	[tilespmem:v6+s17+$0x0] =	vst.idx.msk $0xffff, v5;
	s0 =	sadd.s32 $0x10, s0;
	s2 =	sadd.s32 $0x10, s2;
	s24 =	sadd.s32 $0x10, s24  }
0x45: {  	p0 =	sne.s32 s25, $0x70;
	s20 =	smov.u32 s25;
	s25 =	sadd.s32 $0x10, s25;
	v5 =	vld [tilespmem:s0+$0x0]  }
0x46: {  	_ =	sdelay $0x5  }
0x47: {  	v6 =	vmov s20  }
0x48: {  	v6 =	vmul.u32 $0x3, v6;
	v7 =	vld.idx.msk [tilespmem:v5+s4+$0x0], $0xffff  }
0x49: {  	v8 =	vld.idx.msk [tilespmem:v5+s15+$0x0], $0xffff  }
0x4a: {  	v6 =	vbroadcast v6, $0x0;
	v5 =	vld.idx.msk [tilespmem:v5+s16+$0x0], $0xffff;
	_ =	sdelay $0x1  }
0x4b: {  	v9 =	vadd.s32 v1, v6  }
0x4c: {  	v10 =	vadd.s32 v3, v6  }
.Ltmp2:
0x4d: {  	v6 =	vadd.s32 v4, v6;
	[tilespmem:s2+$0x0] =	vst v7;
	(pc) =	sbr.rel @p0 .LBB2_2-.Ltmp2, $4  }
0x4e: {  	[tilespmem:s24+$0x0] =	vst v8  }
0x4f: {  	[tilespmem:s26+$0x0] =	vst v5  }
0x50: {  	[tilespmem:v9+s17+$0x0] =	vst.idx.msk $0xffff, v7  }
0x51: {  	s26 =	sadd.s32 $0x10, s26;
	[tilespmem:v10+s17+$0x0] =	vst.idx.msk $0xffff, v8  }
0x52: {  	_ =	sdelay $0x3  }
.Ltmp3:
0x53: {  	[tilespmem:v6+s17+$0x0] =	vst.idx.msk $0xffff, v5;
	s24 =	simm.s32 $0x0;
	(pc) =	sbr.rel .LBB2_4-.Ltmp3, $4  }
0x54: {  	[hbm4b:s10+s24] =	stream.linear.scatter [tilespmem:s17], [sflag:$0x5], $0x180, $0x38;
	[tilespmem:$0xD700] =	vst v63  }
0x55: {  	_ =	swait.ge [sflag:s14], $0x180  }
0x56: {  	[sflag:s14] =	ssyncset.done $0x0  }
0x57: {  	[sflag:s14] =	ssyncadd.s32 $0xFFFFFE80  }
.LBB2_9:
0x58: {  	v9 =	vimm.s32 $0x0  }
.LBB2_18:
0x59: {  	s0 =	sand.u32 $0x1, s24  }
0x5a: {  	p0 =	seq.s32 s24, $0x0;
	s2 =	sxor.u32 $0x1, s0  }
0x5b: {  	s6 =	sadd.s32 @!p0 $0x1, s2  }
0x5c: {  	s20 =	sadd.s32 @!p0 s5, s24;
	_ =	swait.ge @!p0 [sflag:s6], $0x2000  }
0x5d: {  	s20 =	sshll.u32 @!p0 s20, $0xD;
	[sflag:s6] =	ssyncset.done @!p0 $0x0  }
0x5e: {  	v10 =	vadd.s32 v2, v8;
	s25 =	simm.s32 @!p0 $0x0;
	[sflag:s6] =	ssyncadd.s32 @!p0 $0xFFFFE000;
	s6 =	sadd.s32 @!p0 $0xFFFFE000, s20  }
0x5f: {  	v11 =	vshll.u32 v10, $0x1;
	s20 =	sadd.s32 @!p0 $0x3, s2;
	s2 =	sshll.u32 @!p0 s2, $0xD;
	s6 =	sshrl.u32 @!p0 s6, $0x3  }
0x60: {  	v12 =	vand.u32 $0x7, v8;
	p1 =	seq.s32 @!p0 s24, $0x1;
	v11 =	vand.u32 $0xFFFFFFF0, v11;
	s2 =	sor.u32 @!p0 $0x9700, s2;
	s6 =	sadd.s32 @!p0 s3, s6  }
0x61: {  	v53 =	vand.u32 $0x7, v0;
	v13 =	vshrl.u32 v0, $0x3;
	v11 =	vor.u32 v12, v11;
	[hbm4b:s6+s25] =	stream.linear.scatter @!p0 [tilespmem:s2], [sflag:s20], $0x2000, $0x38;
	[tilespmem:$0xD700] =	vst v63  }
0x62: {  	v13 =	vmul.u32 $0x8, v13;
	v14 =	vperm.xlane v11, v53;
	p0 =	por p1, p0  }
0x63: {  	v15 =	vor.u32 $0x8, v0;
	s2 =	sadd.s32 @!p0 $0x3, s0  }
0x64: {  	v11 =	vperm.xlane v11, v15;
	v14 =	vadd.s32 v13, v14;
	_ =	swait.ge @!p0 [sflag:s2], $0x2000  }
0x65: {  	[sflag:s2] =	ssyncset.done @!p0 $0x0  }
0x66: {  	v11 =	vadd.s32 v13, v11;
	s6 =	sshll.u32 s0, $0x7;
	[sflag:s2] =	ssyncadd.s32 @!p0 $0xFFFFE000  }
0x67: {  	v54 =	vadd.s32 v2, v9;
	s25 =	sshll.u32 s0, $0xD;
	[tilespmem:s6+$0x9600] =	vst v10  }
0x68: {  	vm0 =	vmmov $0xffff;
	s26 =	sor.u32 $0x9700, s25;
	s0 =	sadd.s32 $0x1, s0;
	[tilespmem:s6+$0x9610] =	vst v54  }
0x69: {  	[tilespmem:s26], [sflag:s0] =	stream.indirect_vreg.gather [hbm4b:s1+s4], $0x80, v14, vm0, $0xb8;
	[tilespmem:$0xD700] =	vst v63  }
0x6a: {  	s28 =	sor.u32 $0x9F00, s25  }
0x6b: {  	[tilespmem:s28], [sflag:s0] =	stream.indirect_vreg.gather [hbm4b:s1+s4], $0x80, v11, vm0, $0xb8;
	[tilespmem:$0xD700] =	vst v63  }
0x6c: {  	v10 =	vld [tilespmem:s6+$0x9610];
	_ =	sdelay $0x4  }
0x6d: {  	v55 =	vshll.u32 v10, $0x1  }
0x6e: {  	v10 =	vand.u32 $0x7, v10;
	v11 =	vand.u32 $0xFFFFFFF0, v55  }
0x6f: {  	v10 =	vor.u32 v10, v11  }
0x70: {  	v11 =	vperm.xlane v10, v53;
	_ =	sdelay $0x1  }
0x71: {  	v10 =	vperm.xlane v10, v15;
	v11 =	vadd.s32 v13, v11;
	_ =	sdelay $0x1  }
0x72: {  	v10 =	vadd.s32 v13, v10;
	_ =	sdelay $0x1  }
0x73: {  	s29 =	sadd.s32 $0xA700, s25  }
0x74: {  	[tilespmem:s29], [sflag:s0] =	stream.indirect_vreg.gather [hbm4b:s1+s4], $0x80, v11, vm0, $0xb8;
	[tilespmem:$0xD700] =	vst v63  }
0x75: {  	s30 =	sadd.s32 $0xAF00, s25  }
0x76: {  	[tilespmem:s30], [sflag:s0] =	stream.indirect_vreg.gather [hbm4b:s1+s4], $0x80, v10, vm0, $0xb8;
	[tilespmem:$0xD700] =	vst v63  }
0x77: {  	s31 =	smul.u32 $0x60, s24;
	v10 =	vld.idx.msk [tilespmem:v8+s4+$0x0], $0xffff  }
0x78: {  	v11 =	vld.idx.msk [tilespmem:v8+s15+$0x0], $0xffff  }
0x79: {  	v56 =	vadd.s32 s31, v1;
	v57 =	vld.idx.msk [tilespmem:v8+s16+$0x0], $0xffff  }
0x7a: {  	v58 =	vadd.s32 s31, v3  }
0x7b: {  	v59 =	vadd.s32 s31, v4  }
0x7c: {  	v10 =	vsub.f32 v10, v5  }
0x7d: {  	v11 =	vsub.f32 v11, v6  }
0x7e: {  	v8 =	vsub.f32 v57, v7;
	[tilespmem:v56+s18+$0x0] =	vst.idx.msk $0xffff, v10  }
0x7f: {  	[tilespmem:v58+s18+$0x0] =	vst.idx.msk $0xffff, v11  }
0x80: {  	[tilespmem:v59+s18+$0x0] =	vst.idx.msk $0xffff, v8  }
0x81: {  	v8 =	vld.idx.msk [tilespmem:v9+s4+$0x0], $0xffff  }
0x82: {  	v60 =	vadd.s32 $0x30, v1;
	v11 =	vld.idx.msk [tilespmem:v9+s15+$0x0], $0xffff  }
0x83: {  	v62 =	vadd.s32 $0x31, v1;
	v10 =	vadd.s32 s31, v60;
	v61 =	vld.idx.msk [tilespmem:v9+s16+$0x0], $0xffff  }
0x84: {  	v63 =	vadd.s32 $0x32, v1;
	s24 =	sadd.s32 $0x1, s24;
	v12 =	vadd.s32 s31, v62  }
0x85: {  	p0 =	sne.s32 s24, $0x80;
	v13 =	vadd.s32 s31, v63  }
.Ltmp4:
0x86: {  	v5 =	vsub.f32 v8, v5;
	(pc) =	sbr.rel @!p0 .LBB2_19-.Ltmp4, $4  }
0x87: {  	v6 =	vsub.f32 v11, v6  }
0x88: {  	v7 =	vsub.f32 v61, v7;
	[tilespmem:v10+s18+$0x0] =	vst.idx.msk $0xffff, v5  }
0x89: {  	[tilespmem:v12+s18+$0x0] =	vst.idx.msk $0xffff, v6  }
0x8a: {  	[tilespmem:v13+s18+$0x0] =	vst.idx.msk $0xffff, v7  }
.LBB2_4:
0x8b: {  	v5 =	vld.msk [tilespmem:s24+$0x3080 ss:$0x0], $0xffff  }
0x8c: {  	v6 =	vld.msk [tilespmem:s24+$0x3180 ss:$0x0], $0xffff  }
0x8d: {  	v7 =	vld.msk [tilespmem:s24+$0x3280 ss:$0x0], $0xffff;
	s0 =	simm.s32 $0x1040  }
0x8e: {  	s2 =	simm.s32 $0x2040;
	v8 =	vld [tilespmem:s0+$0xFFFFFFC0]  }
0x8f: {  	v9 =	vld [tilespmem:s2+$0x30]  }
0x90: {  	v10 =	vld [tilespmem:s2+$0x20]  }
0x91: {  	v11 =	vld [tilespmem:s2+$0x0]  }
0x92: {  	s20 =	simm.s32 $0x40;
	v12 =	vld [tilespmem:s0+$0x30]  }
0x93: {  	v13 =	vld [tilespmem:s20+$0x30]  }
0x94: {  	v14 =	vld [tilespmem:s20+$0x20]  }
0x95: {  	v15 =	vld [tilespmem:s0+$0x20]  }
0x96: {  	v16 =	vld [tilespmem:s20+$0x0]  }
0x97: {  	v19 =	vld [tilespmem:s0+$0x10]  }
0x98: {  	v20 =	vld [tilespmem:s20+$0xFFFFFFD0]  }
0x99: {  	v17 =	vld [tilespmem:s20+$0x10];
	v8 =	vsub.f32 v8, v6;
	v11 =	vsub.f32 v11, v7  }
0x9a: {  	v25 =	vld [tilespmem:s0+$0xFFFFFFD0];
	v12 =	vsub.f32 v12, v6;
	v9 =	vsub.f32 v9, v7  }
0x9b: {  	v26 =	vld [tilespmem:s20+$0xFFFFFFE0];
	v13 =	vsub.f32 v13, v5;
	v14 =	vsub.f32 v14, v5  }
0x9c: {  	v24 =	vld [tilespmem:s0+$0x0];
	v15 =	vsub.f32 v15, v6;
	v10 =	vsub.f32 v10, v7  }
0x9d: {  	v23 =	vld [tilespmem:s2+$0xFFFFFFF0];
	v19 =	vsub.f32 v19, v6;
	v20 =	vsub.f32 v20, v5  }
0x9e: {  	v22 =	vimm.f32 $1.000000020e+30;
	s26 =	simm.s32 $0x20C0;
	v21 =	vld [tilespmem:s20+$0xFFFFFFC0];
	v16 =	vsub.f32 v16, v5;
	v17 =	vsub.f32 v17, v5  }
0x9f: {  	s25 =	simm.s32 $0x10C0;
	v33 =	vld [tilespmem:s26+$0xFFFFFFE0];
	v25 =	vsub.f32 v25, v6;
	v8 =	vmul.f32 v8, v8;
	v12 =	vmul.f32 v12, v12  }
0xa0: {  	v38 =	vld [tilespmem:s25+$0xFFFFFFE0];
	v26 =	vsub.f32 v26, v5;
	v13 =	vmul.f32 v13, v13;
	v9 =	vmul.f32 v9, v9  }
0xa1: {  	v18 =	vld [tilespmem:s2+$0xFFFFFFE0];
	v24 =	vsub.f32 v24, v6;
	v14 =	vmul.f32 v14, v14;
	v15 =	vmul.f32 v15, v15  }
0xa2: {  	v27 =	vld [tilespmem:s0+$0xFFFFFFE0];
	v23 =	vsub.f32 v23, v7;
	v19 =	vmul.f32 v19, v19;
	v20 =	vmul.f32 v20, v20  }
0xa3: {  	v28 =	vld [tilespmem:s2+$0x10];
	v16 =	vmul.f32 v16, v16;
	v12 =	vadd.f32 v12, v13;
	v13 =	vsub.f32 v21, v5  }
0xa4: {  	v33 =	vsub.f32 v33, v7;
	v24 =	vmul.f32 v24, v24;
	v17 =	vmul.f32 v17, v17;
	v21 =	vld [tilespmem:s2+$0xFFFFFFC0]  }
0xa5: {  	v29 =	vld [tilespmem:s2+$0xFFFFFFD0];
	v61 =	vsub.f32 v38, v6;
	v11 =	vmul.f32 v11, v11;
	v13 =	vmul.f32 v13, v13  }
0xa6: {  	v30 =	vld [tilespmem:s0+$0xFFFFFFF0];
	v26 =	vmul.f32 v26, v26;
	v17 =	vadd.f32 v19, v17;
	v16 =	vadd.f32 v24, v16  }
0xa7: {  	v10 =	vmul.f32 v10, v10;
	v14 =	vadd.f32 v15, v14;
	v8 =	vadd.f32 v8, v13  }
0xa8: {  	v13 =	vsub.f32 v18, v7;
	v18 =	vmul.f32 v25, v25;
	v25 =	vsub.f32 v27, v6;
	v27 =	vld [tilespmem:s20+$0xFFFFFFF0]  }
0xa9: {  	v23 =	vmul.f32 v23, v23;
	v24 =	vld [tilespmem:s25+$0xFFFFFFC0];
	v12 =	vadd.f32 v9, v12;
	v9 =	vsub.f32 v21, v7  }
0xaa: {  	v15 =	vld [tilespmem:s26+$0x0];
	v21 =	vsub.f32 v28, v7;
	v28 =	vsub.f32 v29, v7;
	v13 =	vmul.f32 v13, v13  }
0xab: {  	v29 =	vsub.f32 v30, v6;
	v25 =	vmul.f32 v25, v25;
	v9 =	vmul.f32 v9, v9  }
0xac: {  	v18 =	vadd.f32 v18, v20;
	v20 =	vld [tilespmem:s26+$0x30];
	v19 =	vmul.f32 v28, v28;
	v28 =	vadd.f32 v11, v16  }
0xad: {  	s28 =	simm.s32 $0xC0;
	v21 =	vmul.f32 v21, v21;
	v11 =	vld [tilespmem:s26+$0x20];
	v27 =	vsub.f32 v27, v5;
	v8 =	vadd.f32 v9, v8  }
0xae: {  	v9 =	vmul.f32 v29, v29;
	v19 =	vadd.f32 v19, v18;
	v18 =	vsub.f32 v24, v6;
	v24 =	vld [tilespmem:s28+$0x30]  }
0xaf: {  	v29 =	vsub.f32 v15, v7;
	v15 =	vld [tilespmem:s28+$0x0];
	v16 =	vmul.f32 v27, v27;
	v27 =	vadd.f32 v21, v17  }
0xb0: {  	v17 =	vld [tilespmem:s25+$0x30];
	v21 =	vadd.f32 v25, v26;
	v26 =	vadd.f32 v10, v14;
	v14 =	vmax.f32 v22, v8  }
0xb1: {  	v10 =	vsub.f32 v20, v7;
	v14 =	vmin.f32 v22, v14;
	v9 =	vadd.f32 v9, v16;
	v16 =	vld [tilespmem:s28+$0x20]  }
0xb2: {  	v25 =	vadd.f32 v13, v21;
	v21 =	vmul.f32 v18, v18;
	v13 =	vld [tilespmem:s25+$0x20];
	v18 =	vmin.f32 v22, v8  }
0xb3: {  	v31 =	vsub.f32 v11, v7;
	v22 =	vld [tilespmem:s25+$0x10];
	v32 =	vmul.f32 v10, v10;
	v20 =	vmin.f32 v18, v19  }
0xb4: {  	v18 =	vmax.f32 v18, v19;
	v15 =	vsub.f32 v15, v5;
	v23 =	vadd.f32 v23, v9  }
0xb5: {  	s20 =	simm.s32 $0x3540;
	v9 =	vsub.f32 v24, v5;
	v24 =	vmax.f32 v20, v25;
	v11 =	vmin.f32 v14, v18;
	v14 =	vld [tilespmem:s28+$0xFFFFFFC0]  }
0xb6: {  	[tilespmem:s20+$0xFFFFFFD0] =	vst v19;
	v19 =	vmul.f32 v33, v33;
	v17 =	vsub.f32 v17, v6;
	v24 =	vmin.f32 v11, v24  }
0xb7: {  	v18 =	vld [tilespmem:s28+$0x10];
	v41 =	vmul.f32 v15, v15;
	v16 =	vsub.f32 v16, v5;
	v13 =	vsub.f32 v13, v6  }
0xb8: {  	v30 =	vld [tilespmem:s28+$0xFFFFFFD0];
	v9 =	vmul.f32 v9, v9;
	v17 =	vmul.f32 v17, v17;
	v22 =	vsub.f32 v22, v6  }
0xb9: {  	v35 =	vld [tilespmem:s25+$0x0];
	v10 =	vmul.f32 v16, v16;
	v11 =	vmul.f32 v13, v13;
	v13 =	vmin.f32 v20, v25  }
0xba: {  	v42 =	vld [tilespmem:s26+$0x10];
	v34 =	vadd.f32 v17, v9;
	v9 =	vmul.f32 v31, v31;
	v14 =	vsub.f32 v14, v5  }
0xbb: {  	v17 =	vld [tilespmem:s28+$0xFFFFFFE0];
	v37 =	vmul.f32 v22, v22;
	v16 =	vmin.f32 v13, v23;
	v13 =	vmax.f32 v13, v23  }
0xbc: {  	[tilespmem:s20+$0xFFFFFFF0] =	vst v23;
	v31 =	vld [tilespmem:s25+$0xFFFFFFD0];
	v39 =	vsub.f32 v18, v5;
	v23 =	vmul.f32 v61, v61;
	v24 =	vmin.f32 v24, v13  }
0xbd: {  	v60 =	vld [tilespmem:s26+$0xFFFFFFD0];
	v13 =	vsub.f32 v30, v5;
	v30 =	vmin.f32 v16, v28;
	v36 =	vmax.f32 v16, v28  }
0xbe: {  	v62 =	vld [tilespmem:s28+$0xFFFFFFF0];
	[tilespmem:s20+$0xFFFFFFC0] =	vst v8;
	v14 =	vmul.f32 v14, v14;
	v8 =	vadd.f32 v32, v34;
	v22 =	vmin.f32 v30, v27  }
0xbf: {  	v20 =	vld [tilespmem:s26+$0xFFFFFFF0];
	v16 =	vmul.f32 v13, v13;
	v13 =	vmax.f32 v30, v27;
	v40 =	vmin.f32 v22, v26  }
0xc0: {  	[tilespmem:s20+$0x10] =	vst v27;
	v30 =	vld [tilespmem:s26+$0xFFFFFFC0];
	v15 =	vmax.f32 v22, v26;
	v22 =	vsub.f32 v35, v6;
	v18 =	vsub.f32 v17, v5  }
0xc1: {  	[tilespmem:s20+$0xFFFFFFE0] =	vst v25;
	v25 =	vmul.f32 v39, v39;
	v17 =	vadd.f32 v21, v14;
	v21 =	vsub.f32 v31, v6;
	v31 =	vld [tilespmem:s25+$0xFFFFFFF0]  }
0xc2: {  	[tilespmem:s20+$0x20] =	vst v26;
	v24 =	vmin.f32 v24, v36;
	v27 =	vsub.f32 v42, v7;
	v26 =	vsub.f32 v60, v7  }
0xc3: {  	[tilespmem:s20+$0x30] =	vst v12;
	v25 =	vadd.f32 v37, v25;
	v14 =	vmax.f32 v40, v12;
	v12 =	vmin.f32 v40, v12  }
0xc4: {  	v20 =	vsub.f32 v20, v7;
	v63 =	vmul.f32 v22, v22;
	v22 =	vmul.f32 v29, v29  }
0xc5: {  	s29 =	simm.s32 $0x140;
	s30 =	simm.s32 $0x1140;
	[tilespmem:s20+$0x0] =	vst v28;
	s28 =	simm.s32 $0x35C0;
	v21 =	vmul.f32 v21, v21;
	v28 =	vsub.f32 v30, v7;
	v30 =	vsub.f32 v62, v5  }
0xc6: {  	s31 =	simm.s32 $0x2140;
	s26 =	simm.s32 $0x80;
	[tilespmem:s28+$0x30] =	vst v8;
	s25 =	simm.s32 $0x35C0;
	v26 =	vmul.f32 v26, v26;
	v29 =	vsub.f32 v31, v6;
	v31 =	vadd.f32 v63, v41  }
.LBB2_5:
0xc7: {  	v32 =	vld [tilespmem:s30+$0xFFFFFFC0];
	s26 =	sadd.s32 $0x80, s26;
	v28 =	vmul.f32 v28, v28;
	v16 =	vadd.f32 v21, v16;
	v21 =	vmul.f32 v27, v27;
	s28 =	sadd.s32 $0x80, s28  }
0xc8: {  	v18 =	vmul.f32 v18, v18;
	v27 =	vld [tilespmem:s31+$0x30];
	p0 =	slt.u32 s26, $0xF80;
	v30 =	vmul.f32 v30, v30;
	v22 =	vadd.f32 v22, v31  }
0xc9: {  	v29 =	vmul.f32 v29, v29;
	v10 =	vadd.f32 v11, v10;
	v11 =	vmin.f32 v24, v13;
	v31 =	vld [tilespmem:s31+$0x20]  }
0xca: {  	v20 =	vmul.f32 v20, v20;
	v17 =	vadd.f32 v28, v17;
	v21 =	vadd.f32 v21, v25;
	v13 =	vld [tilespmem:s31+$0x0];
	[tilespmem:s25+$0x0] =	vst v22  }
0xcb: {  	v11 =	vmin.f32 v11, v15;
	v16 =	vadd.f32 v26, v16;
	v18 =	vadd.f32 v23, v18;
	v24 =	vld [tilespmem:s30+$0x30]  }
0xcc: {  	v11 =	vmin.f32 v11, v14;
	v25 =	vadd.f32 v29, v30;
	v15 =	vsub.f32 v32, v6;
	v23 =	vld [tilespmem:s29+$0x30];
	[tilespmem:s25+$0xFFFFFFC0] =	vst v17  }
0xcd: {  	v18 =	vadd.f32 v19, v18;
	v14 =	vld [tilespmem:s29+$0x20];
	[tilespmem:s25+$0xFFFFFFD0] =	vst v16  }
0xce: {  	v28 =	vadd.f32 v9, v10;
	v26 =	vmin.f32 v12, v17;
	v19 =	vmul.f32 v15, v15;
	v15 =	vld [tilespmem:s30+$0x20];
	[tilespmem:s25+$0x10] =	vst v21  }
0xcf: {  	v10 =	vmax.f32 v12, v17;
	v9 =	vsub.f32 v27, v7;
	v29 =	vld [tilespmem:s29+$0x0];
	v30 =	vsub.f32 v13, v7;
	[tilespmem:s25+$0xFFFFFFE0] =	vst v18  }
0xd0: {  	v17 =	vmin.f32 v26, v16;
	v20 =	vadd.f32 v20, v25;
	v12 =	vld [tilespmem:s29+$0x10];
	v13 =	vsub.f32 v24, v6;
	[tilespmem:s25+$0x20] =	vst v28  }
0xd1: {  	v10 =	vmin.f32 v11, v10;
	v11 =	vmax.f32 v26, v16;
	v24 =	vld [tilespmem:s31+$0xFFFFFFE0];
	v23 =	vsub.f32 v23, v5  }
0xd2: {  	v25 =	vmax.f32 v17, v18;
	v16 =	vld [tilespmem:s30+$0x10];
	v14 =	vsub.f32 v14, v5;
	v13 =	vmul.f32 v13, v13;
	[tilespmem:s25+$0xFFFFFFF0] =	vst v20;
	s25 =	smov.u32 s28  }
0xd3: {  	v10 =	vmin.f32 v10, v11;
	v27 =	vsub.f32 v31, v7;
	v26 =	vld [tilespmem:s29+$0xFFFFFFD0];
	v15 =	vsub.f32 v15, v6  }
0xd4: {  	v25 =	vmin.f32 v10, v25;
	v32 =	vmul.f32 v9, v9;
	v23 =	vmul.f32 v23, v23;
	v31 =	vld [tilespmem:s29+$0xFFFFFFC0]  }
0xd5: {  	v9 =	vmin.f32 v17, v18;
	v10 =	vmul.f32 v14, v14;
	v33 =	vld [tilespmem:s31+$0xFFFFFFF0];
	v11 =	vmul.f32 v15, v15  }
0xd6: {  	v14 =	vmax.f32 v9, v20;
	v23 =	vadd.f32 v13, v23;
	v13 =	vmin.f32 v9, v20;
	v34 =	vld [tilespmem:s30+$0x0]  }
0xd7: {  	v9 =	vmul.f32 v27, v27;
	v25 =	vmin.f32 v25, v14;
	v15 =	vld [tilespmem:s29+$0xFFFFFFE0];
	v16 =	vsub.f32 v16, v6  }
0xd8: {  	v18 =	vmin.f32 v13, v22;
	v14 =	vld [tilespmem:s30+$0xFFFFFFD0];
	v17 =	vsub.f32 v26, v5;
	v26 =	vmax.f32 v13, v22  }
0xd9: {  	v22 =	vmin.f32 v18, v21;
	v20 =	vsub.f32 v31, v5;
	v31 =	vld [tilespmem:s30+$0xFFFFFFF0];
	v35 =	vmul.f32 v16, v16  }
0xda: {  	v13 =	vmax.f32 v18, v21;
	v16 =	vmul.f32 v17, v17;
	v27 =	vld [tilespmem:s30+$0xFFFFFFE0];
	v17 =	vsub.f32 v29, v5  }
0xdb: {  	v36 =	vsub.f32 v12, v5;
	v12 =	vmin.f32 v22, v28;
	v29 =	vld [tilespmem:s31+$0xFFFFFFC0];
	v20 =	vmul.f32 v20, v20  }
0xdc: {  	v18 =	vsub.f32 v15, v5;
	v37 =	vmul.f32 v17, v17;
	v38 =	vld [tilespmem:s31+$0x10];
	v15 =	vmax.f32 v22, v28  }
0xdd: {  	v17 =	vadd.f32 v19, v20;
	v19 =	vld [tilespmem:s31+$0xFFFFFFD0];
	v20 =	vsub.f32 v14, v6;
	v14 =	vmax.f32 v12, v8  }
0xde: {  	v24 =	vsub.f32 v24, v7;
	v22 =	vsub.f32 v34, v6;
	v12 =	vmin.f32 v12, v8  }
0xdf: {  	v21 =	vmul.f32 v20, v20;
	v34 =	vsub.f32 v27, v6;
	v39 =	vld [tilespmem:s29+$0xFFFFFFF0];
	v20 =	vsub.f32 v33, v7  }
.Ltmp5:
0xe0: {  	v8 =	vadd.f32 v32, v23;
	v33 =	vmul.f32 v22, v22;
	v22 =	vmul.f32 v30, v30;
	(pc) =	sbr.rel @p0 .LBB2_5-.Ltmp5, $4  }
0xe1: {  	v30 =	vmul.f32 v36, v36;
	v28 =	vsub.f32 v29, v7;
	v27 =	vsub.f32 v38, v7  }
0xe2: {  	v32 =	vsub.f32 v19, v7;
	v19 =	vmul.f32 v24, v24;
	[tilespmem:s28+$0x30] =	vst v8;
	v24 =	vmin.f32 v25, v26  }
0xe3: {  	v29 =	vsub.f32 v31, v6;
	v23 =	vmul.f32 v34, v34;
	v25 =	vadd.f32 v35, v30  }
0xe4: {  	s30 =	sadd.s32 $0x80, s30;
	s31 =	sadd.s32 $0x80, s31;
	s29 =	sadd.s32 $0x80, s29;
	v31 =	vadd.f32 v33, v37;
	v26 =	vmul.f32 v32, v32;
	v30 =	vsub.f32 v39, v5  }
0xe5: {  	v28 =	vmul.f32 v28, v28  }
0xe6: {  	v16 =	vadd.f32 v21, v16;
	v21 =	vmul.f32 v27, v27;
	v18 =	vmul.f32 v18, v18  }
0xe7: {  	v29 =	vmul.f32 v29, v29;
	v10 =	vadd.f32 v11, v10;
	v11 =	vmin.f32 v24, v13  }
0xe8: {  	v63 =	vmul.f32 v30, v30;
	v22 =	vadd.f32 v22, v31;
	v11 =	vmin.f32 v11, v15  }
0xe9: {  	v13 =	vadd.f32 v28, v17;
	v17 =	vmul.f32 v20, v20;
	v18 =	vadd.f32 v23, v18  }
0xea: {  	v20 =	vadd.f32 v21, v25;
	v16 =	vadd.f32 v26, v16;
	v11 =	vmin.f32 v11, v14  }
0xeb: {  	v15 =	vadd.f32 v29, v63;
	v14 =	vadd.f32 v19, v18;
	v18 =	vmin.f32 v12, v13  }
0xec: {  	v9 =	vadd.f32 v9, v10;
	v10 =	vmax.f32 v12, v13;
	v12 =	vmin.f32 v18, v16  }
0xed: {  	v15 =	vadd.f32 v17, v15;
	v10 =	vmin.f32 v11, v10;
	v11 =	vmax.f32 v18, v16  }
0xee: {  	v17 =	vmax.f32 v12, v14;
	v10 =	vmin.f32 v10, v11;
	v11 =	vmin.f32 v12, v14  }
0xef: {  	v10 =	vmin.f32 v10, v17;
	v12 =	vmin.f32 v11, v15;
	v11 =	vmax.f32 v11, v15  }
0xf0: {  	v10 =	vmin.f32 v10, v11;
	v11 =	vmin.f32 v12, v22;
	v12 =	vmax.f32 v12, v22  }
0xf1: {  	v17 =	vmin.f32 v11, v20;
	v11 =	vmax.f32 v11, v20;
	v10 =	vmin.f32 v10, v12  }
0xf2: {  	[tilespmem:s25+$0x0] =	vst v22;
	v12 =	vmin.f32 v17, v9;
	v17 =	vmax.f32 v17, v9;
	v10 =	vmin.f32 v10, v11  }
0xf3: {  	[tilespmem:s25+$0xFFFFFFC0] =	vst v13;
	v8 =	vmax.f32 v12, v8;
	v10 =	vmin.f32 v10, v17  }
0xf4: {  	[tilespmem:s25+$0xFFFFFFD0] =	vst v16;
	v8 =	vmin.f32 v10, v8  }
0xf5: {  	[tilespmem:s25+$0x10] =	vst v20;
	(xrf0) =	vmax.scan.msk.f32 $0xffff, v8  }
0xf6: {  	[tilespmem:s25+$0x20] =	vst v9  }
0xf7: {  	[tilespmem:s25+$0xFFFFFFE0] =	vst v14  }
0xf8: {  	s0 =	simm.s32 $0x3520;
	[tilespmem:s25+$0xFFFFFFF0] =	vst v15  }
0xf9: {  	v20 =	vld [tilespmem:s0+$0xFFFFFFE0];
	_ =	sdelay $0x1  }
0xfa: {  	v8, _, _ =	vpop (xrf0)  }
0xfb: {  	v19 =	vbroadcast v8, $0xF  }
0xfc: {  	v18 =	vld [tilespmem:s0+$0xFFFFFFF0]  }
0xfd: {  	vm0 =	vle.f32 v20, v19  }
0xfe: {  	v8 =	vmpcnt.ones.xlane vm0;
	_ =	sdelay $0x1  }
0xff: {  	v17 =	vld [tilespmem:s0+$0x0];
	v8 =	vxor.u32 $0x80000000, v8  }
0x100: {  	vm1 =	vle.f32 v18, v19;
	(xrf0) =	vmax.scan.msk.u32 $0xffff, v8  }
0x101: {  	v16 =	vld [tilespmem:s0+$0x10];
	v9 =	vmpcnt.ones.xlane vm1;
	_ =	sdelay $0x1  }
0x102: {  	s2 =	simm.s32 $0x3560;
	v8 =	vxor.u32 $0x80000000, v9  }
0x103: {  	v15 =	vld [tilespmem:s2+$0xFFFFFFE0];
	vm2 =	vle.f32 v17, v19;
	(xrf0) =	vmax.scan.msk.u32 $0xffff, v8  }
0x104: {  	v8 =	vmpcnt.ones.xlane vm2  }
0x105: {  	v10 =	vld [tilespmem:s2+$0xFFFFFFF0];
	vm3 =	vle.f32 v16, v19;
	v11, _, _ =	vpop (xrf0)  }
0x106: {  	v12 =	vmpcnt.ones.xlane vm3;
	v9 =	vld [tilespmem:s2+$0x0];
	(v2sf) =	vpush v11, $0xF;
	v11 =	vxor.u32 $0x80000000, v8  }
0x107: {  	v8 =	vld [tilespmem:s2+$0x10];
	(xrf0) =	vmax.scan.msk.u32 $0xffff, v11  }
0x108: {  	vm4 =	vle.f32 v15, v19;
	v11 =	vxor.u32 $0x80000000, v12  }
0x109: {  	v13, _, _ =	vpop (xrf0);
	v12 =	vmpcnt.ones.xlane vm4;
	(xrf0) =	vmax.scan.msk.u32 $0xffff, v11  }
0x10a: {  	vm5 =	vle.f32 v10, v19  }
0x10b: {  	vm6 =	vle.f32 v9, v19;
	v11 =	vxor.u32 $0x80000000, v12;
	v12 =	vmpcnt.ones.xlane vm5  }
0x10c: {  	(v2sf) =	vpush v13, $0xF;
	v13 =	vmpcnt.ones.xlane vm6;
	vm7 =	vle.f32 v8, v19  }
0x10d: {  	(xrf0) =	vmax.scan.msk.u32 $0xffff, v11;
	v12 =	vxor.u32 $0x80000000, v12;
	v14 =	vmpcnt.ones.xlane vm7;
	v21, _, _ =	vpop (xrf0)  }
0x10e: {  	v13 =	vxor.u32 $0x80000000, v13;
	(xrf0) =	vmax.scan.msk.u32 $0xffff, v12;
	(v2sf) =	vpush v21, $0xF  }
0x10f: {  	s6 =	simm.s32 $0x35A0;
	(xrf0) =	vmax.scan.msk.u32 $0xffff, v13;
	v21, _, _ =	vpop (xrf0);
	v14 =	vxor.u32 $0x80000000, v14  }
0x110: {  	v11 =	vld [tilespmem:s6+$0xFFFFFFE0];
	(v2sf) =	vpush v21, $0xF;
	(xrf0) =	vmax.scan.msk.u32 $0xffff, v14;
	_ =	sdelay $0x1  }
0x111: {  	vm0 =	vmmov vm0;
	v12 =	vld [tilespmem:s6+$0xFFFFFFF0]  }
0x112: {  	vm1 =	vmmov vm1;
	vm8 =	vmmov vm2;
	vm3 =	vmmov vm3;
	v14, _, _ =	vpop (xrf0)  }
0x113: {  	vm12 =	vmmov vm4;
	vm2 =	vmmov vm5;
	v13 =	vld [tilespmem:s6+$0x0];
	(v2sf) =	vpush v14, $0xF;
	v22, _, _ =	vpop (xrf0)  }
0x114: {  	vm5 =	vmmov vm8;
	vm8 =	vle.f32 v11, v19;
	(v2sf) =	vpush v22, $0xF;
	v23, _, _ =	vpop (xrf0)  }
0x115: {  	vm11 =	vmmov vm0;
	v21 =	vmpcnt.ones.xlane vm8;
	v14 =	vld [tilespmem:s6+$0x10];
	s20 =	spop (v2sf);
	(v2sf) =	vpush v23, $0xF;
	v23, _, _ =	vpop (xrf0)  }
0x116: {  	s29 =	simm.s32 $0x0;
	vm10 =	vmmov vm1;
	vm9 =	vle.f32 v12, v19;
	(v2sf) =	vpush v23, $0xF  }
0x117: {  	[tilespmem:s29+$0x4500] =	vst.msk vm11, v20;
	v20 =	vor.u32 s29, v0;
	v21 =	vxor.u32 $0x80000000, v21;
	v22 =	vmpcnt.ones.xlane vm9  }
0x118: {  	s28 =	simm.s32 $0x40;
	s26 =	simm.s32 $0x80;
	s30 =	simm.s32 $0x35E0;
	vm1 =	vmmov vm6;
	vm4 =	vmmov vm3;
	vm6 =	vle.f32 v13, v19;
	(xrf0) =	vmax.scan.msk.u32 $0xffff, v21  }
0x119: {  	s31 =	simm.s32 $0x100;
	s25 =	simm.s32 $0xC0;
	[tilespmem:s29+$0x5580] =	vst.msk vm11, v20;
	vm0 =	vmmov vm7;
	v21 =	vmpcnt.ones.xlane vm6;
	v22 =	vxor.u32 $0x80000000, v22;
	s0 =	sadd.s32 $0x0, s20  }
0x11a: {  	v20 =	vld [tilespmem:s30+$0xFFFFFFE0];
	s2 =	simm.s32 $0x10;
	vm7 =	vmmov vm12;
	vm3 =	vmmov vm8;
	(xrf0) =	vmax.scan.msk.u32 $0xffff, v22;
	s20 =	spop (v2sf);
	vm8 =	vle.f32 v14, v19;
	s0 =	sadd.s32 $0x80000000, s0  }
.LBB2_7:
0x11b: {  	p0 =	slt.u32 s31, $0xFC0;
	v21 =	vxor.u32 $0x80000000, v21;
	v22 =	vmpcnt.ones.xlane vm8;
	[tilespmem:s0+$0x4500] =	vst.msk vm10, v18;
	v23 =	vor.u32 s2, v0;
	s2 =	sadd.s32 s20, s0;
	v18 =	vmovc v10;
	v10 =	vmovc v12  }
0x11c: {  	v12 =	vld [tilespmem:s30+$0xFFFFFFF0];
	(xrf0) =	vmax.scan.msk.u32 $0xffff, v21;
	[tilespmem:s0+$0x5580] =	vst.msk vm10, v23;
	s0 =	sadd.s32 $0x80000000, s2;
	s2 =	sadd.s32 $0x20, s29;
	s20 =	spop (v2sf);
	vm10 =	vmmov vm2;
	vm2 =	vmmov vm9  }
0x11d: {  	v21 =	vxor.u32 $0x80000000, v22;
	[tilespmem:s0+$0x4500] =	vst.msk vm5, v17;
	v22 =	vor.u32 s2, v0;
	s2 =	sadd.s32 s20, s0;
	v17 =	vmovc v9;
	v9 =	vmov v13  }
0x11e: {  	v13 =	vld [tilespmem:s30+$0x0];
	v23, _, _ =	vpop (xrf0);
	(xrf0) =	vmax.scan.msk.u32 $0xffff, v21;
	[tilespmem:s0+$0x5580] =	vst.msk vm5, v22;
	s0 =	sadd.s32 $0x80000000, s2;
	s2 =	sadd.s32 $0x30, s29;
	s20 =	spop (v2sf);
	vm5 =	vmmov vm1;
	vm1 =	vmmov vm6  }
0x11f: {  	s29 =	smov.u32 s28;
	s28 =	smov.u32 s26;
	vm11 =	vle.f32 v20, v19;
	(v2sf) =	vpush v23, $0xF;
	[tilespmem:s0+$0x4500] =	vst.msk vm4, v16;
	v21 =	vor.u32 s2, v0;
	s2 =	sadd.s32 s20, s0;
	v16 =	vmovc v8;
	v8 =	vmovc v14  }
0x120: {  	s26 =	smov.u32 s25;
	s25 =	smov.u32 s31;
	v22 =	vmpcnt.ones.xlane vm11;
	v14 =	vld [tilespmem:s30+$0x10];
	v23, _, _ =	vpop (xrf0);
	[tilespmem:s0+$0x5580] =	vst.msk vm4, v21;
	s0 =	sadd.s32 $0x80000000, s2;
	vm4 =	vmmov vm0;
	vm0 =	vmmov vm8  }
.Ltmp6:
0x121: {  	v21 =	vor.u32 s29, v0;
	vm9 =	vle.f32 v12, v19;
	(v2sf) =	vpush v23, $0xF;
	[tilespmem:s0+$0x4500] =	vst.msk vm7, v15;
	v15 =	vmovc v11;
	v11 =	vmovc v20;
	(pc) =	sbr.rel @p0 .LBB2_7-.Ltmp6, $4  }
0x122: {  	v20 =	vxor.u32 $0x80000000, v22;
	v22 =	vmpcnt.ones.xlane vm9;
	v23, _, _ =	vpop (xrf0);
	[tilespmem:s0+$0x5580] =	vst.msk vm7, v21;
	vm7 =	vmmov vm3  }
0x123: {  	vm3 =	vmmov vm11;
	vm6 =	vle.f32 v13, v19;
	(xrf0) =	vmax.scan.msk.u32 $0xffff, v20;
	(v2sf) =	vpush v23, $0xF;
	s2 =	spop (v2sf)  }
0x124: {  	s30 =	sadd.s32 $0x40, s30;
	v22 =	vxor.u32 $0x80000000, v22;
	v21 =	vmpcnt.ones.xlane vm6;
	v23, _, _ =	vpop (xrf0);
	s0 =	sadd.s32 s2, s0;
	s2 =	sadd.s32 $0x10, s29  }
0x125: {  	s31 =	sadd.s32 $0x40, s31;
	v20 =	vld [tilespmem:s30+$0xFFFFFFE0];
	vm8 =	vle.f32 v14, v19;
	(xrf0) =	vmax.scan.msk.u32 $0xffff, v22;
	(v2sf) =	vpush v23, $0xF;
	s0 =	sadd.s32 $0x80000000, s0;
	s20 =	spop (v2sf)  }
0x126: {  	_ = 	snop  }
0x127: {  	v23 =	vld [tilespmem:s30+$0xFFFFFFF0];
	_ =	sdelay $0x1  }
0x128: {  	v21 =	vxor.u32 $0x80000000, v21;
	v24 =	vmpcnt.ones.xlane vm8;
	v22 =	vld [tilespmem:s30+$0x0]  }
0x129: {  	(xrf0) =	vmax.scan.msk.u32 $0xffff, v21;
	vm14 =	vle.f32 v20, v19  }
0x12a: {  	v45 =	vld [tilespmem:s30+$0x10];
	v24 =	vxor.u32 $0x80000000, v24;
	v25 =	vmpcnt.ones.xlane vm14  }
0x12b: {  	v26, _, _ =	vpop (xrf0);
	(xrf0) =	vmax.scan.msk.u32 $0xffff, v24;
	vm13 =	vle.f32 v23, v19  }
0x12c: {  	(v2sf) =	vpush v26, $0xF;
	v47 =	vmpcnt.ones.xlane vm13;
	v46 =	vxor.u32 $0x80000000, v25  }
0x12d: {  	v48, _, _ =	vpop (xrf0);
	vm12 =	vle.f32 v22, v19;
	(xrf0) =	vmax.scan.msk.u32 $0xffff, v46  }
0x12e: {  	s20 =	sadd.s32 s20, s0;
	(v2sf) =	vpush v48, $0xF;
	v50 =	vmpcnt.ones.xlane vm12;
	v49 =	vxor.u32 $0x80000000, v47  }
0x12f: {  	s6 =	spop (v2sf);
	s20 =	sadd.s32 $0x80000000, s20;
	vm11 =	vle.f32 v45, v19;
	v51, _, _ =	vpop (xrf0);
	(xrf0) =	vmax.scan.msk.u32 $0xffff, v49  }
0x130: {  	s30 =	sadd.s32 s6, s20;
	v53 =	vmpcnt.ones.xlane vm11;
	(v2sf) =	vpush v51, $0xF;
	v52 =	vxor.u32 $0x80000000, v50  }
0x131: {  	s31 =	spop (v2sf);
	s30 =	sadd.s32 $0x80000000, s30;
	v54, _, _ =	vpop (xrf0);
	(xrf0) =	vmax.scan.msk.u32 $0xffff, v52  }
0x132: {  	s31 =	sadd.s32 s31, s30;
	v55 =	vxor.u32 $0x80000000, v53;
	(v2sf) =	vpush v54, $0xF  }
0x133: {  	s31 =	sadd.s32 $0x80000000, s31;
	s6 =	spop (v2sf);
	v56, _, _ =	vpop (xrf0);
	(xrf0) =	vmax.scan.msk.u32 $0xffff, v55  }
0x134: {  	s6 =	sadd.s32 s6, s31;
	(v2sf) =	vpush v56, $0xF  }
0x135: {  	[tilespmem:s0+$0x4500] =	vst.msk vm10, v18;
	v57 =	vor.u32 s2, v0;
	s2 =	sadd.s32 $0x80000000, s6;
	s6 =	spop (v2sf);
	v58, _, _ =	vpop (xrf0)  }
0x136: {  	[tilespmem:s0+$0x5580] =	vst.msk vm10, v57;
	s0 =	sadd.s32 $0x20, s29;
	s6 =	sadd.s32 s6, s2;
	(v2sf) =	vpush v58, $0xF  }
0x137: {  	[tilespmem:s20+$0x4500] =	vst.msk vm5, v17;
	v59 =	vor.u32 s0, v0;
	s0 =	sadd.s32 $0x80000000, s6;
	s6 =	spop (v2sf);
	v60, _, _ =	vpop (xrf0)  }
0x138: {  	s29 =	sadd.s32 $0x30, s29;
	[tilespmem:s20+$0x5580] =	vst.msk vm5, v59;
	s6 =	sadd.s32 s6, s0;
	(v2sf) =	vpush v60, $0xF  }
0x139: {  	v61 =	vor.u32 s29, v0;
	[tilespmem:s30+$0x4500] =	vst.msk vm4, v16;
	s6 =	sadd.s32 $0x80000000, s6;
	s29 =	spop (v2sf);
	v62, _, _ =	vpop (xrf0)  }
0x13a: {  	[tilespmem:s30+$0x5580] =	vst.msk vm4, v61;
	s20 =	sadd.s32 s29, s6;
	(v2sf) =	vpush v62, $0xF  }
0x13b: {  	v63 =	vor.u32 s28, v0;
	[tilespmem:s31+$0x4500] =	vst.msk vm7, v15;
	s20 =	sadd.s32 $0x80000000, s20;
	s29 =	spop (v2sf)  }
0x13c: {  	vm2 =	vmmov vm2;
	[tilespmem:s31+$0x5580] =	vst.msk vm7, v63;
	s31 =	sadd.s32 $0x10, s28;
	s29 =	sadd.s32 s29, s20  }
0x13d: {  	[tilespmem:s2+$0x4500] =	vst.msk vm2, v10;
	v10 =	vor.u32 s31, v0;
	s29 =	sadd.s32 $0x80000000, s29;
	s30 =	spop (v2sf)  }
0x13e: {  	vm1 =	vmmov vm1;
	s31 =	sadd.s32 $0x20, s28;
	[tilespmem:s2+$0x5580] =	vst.msk vm2, v10;
	s30 =	sadd.s32 s30, s29  }
0x13f: {  	[tilespmem:s0+$0x4500] =	vst.msk vm1, v9;
	v9 =	vor.u32 s31, v0;
	s2 =	sadd.s32 $0x80000000, s30;
	s30 =	spop (v2sf)  }
0x140: {  	vm0 =	vmmov vm0;
	s31 =	sadd.s32 $0x30, s28;
	[tilespmem:s0+$0x5580] =	vst.msk vm1, v9;
	s30 =	sadd.s32 s30, s2  }
0x141: {  	[tilespmem:s6+$0x4500] =	vst.msk vm0, v8;
	v8 =	vor.u32 s31, v0;
	s0 =	sadd.s32 $0x80000000, s30;
	s31 =	spop (v2sf)  }
0x142: {  	vm4 =	vmmov vm3;
	[tilespmem:s6+$0x5580] =	vst.msk vm0, v8;
	s30 =	sadd.s32 s31, s0  }
0x143: {  	vm5 =	vmmov vm9;
	v8 =	vor.u32 s26, v0;
	[tilespmem:s20+$0x4500] =	vst.msk vm4, v11;
	s6 =	sadd.s32 $0x80000000, s30;
	s31 =	spop (v2sf)  }
0x144: {  	vm7 =	vmmov vm6;
	vm0 =	vmmov vm5;
	[tilespmem:s20+$0x5580] =	vst.msk vm4, v8;
	s28 =	sadd.s32 s31, s6  }
0x145: {  	vm1 =	vmmov vm7;
	[tilespmem:s29+$0x4500] =	vst.msk vm0, v12;
	s30 =	sadd.s32 $0x10, s26;
	s31 =	spop (v2sf);
	s20 =	sadd.s32 $0x80000000, s28  }
0x146: {  	[tilespmem:s2+$0x4500] =	vst.msk vm1, v13;
	v8 =	vor.u32 s30, v0;
	s30 =	sadd.s32 $0x20, s26;
	s28 =	sadd.s32 s31, s20  }
0x147: {  	vm9 =	vmmov vm8;
	[tilespmem:s29+$0x5580] =	vst.msk vm0, v8;
	v8 =	vor.u32 s30, v0;
	s31 =	spop (v2sf);
	s28 =	sadd.s32 $0x80000000, s28  }
0x148: {  	s26 =	sadd.s32 $0x30, s26;
	vm0 =	vmmov vm9;
	[tilespmem:s2+$0x5580] =	vst.msk vm1, v8;
	s30 =	sadd.s32 s31, s28  }
0x149: {  	vm10 =	vmmov vm14;
	[tilespmem:s0+$0x4500] =	vst.msk vm0, v14;
	v8 =	vor.u32 s26, v0;
	s2 =	sadd.s32 $0x80000000, s30;
	s31 =	spop (v2sf)  }
0x14a: {  	vm1 =	vmmov vm10;
	[tilespmem:s0+$0x5580] =	vst.msk vm0, v8;
	s26 =	sadd.s32 s31, s2  }
0x14b: {  	[tilespmem:s6+$0x4500] =	vst.msk vm1, v20;
	v8 =	vor.u32 s25, v0;
	s26 =	sadd.s32 $0x80000000, s26  }
0x14c: {  	vm13 =	vmmov vm13;
	[tilespmem:s6+$0x5580] =	vst.msk vm1, v8;
	s6 =	sadd.s32 $0x1F, s26  }
0x14d: {  	s29 =	sadd.s32 $0x10, s25;
	vm0 =	vmmov vm13;
	s30 =	sand.u32 $0x1F, s6  }
0x14e: {  	v8 =	vor.u32 s29, v0;
	[tilespmem:s20+$0x4500] =	vst.msk vm0, v23;
	s31 =	sshra.s32 s6, $0x1F;
	p0 =	slt.s32 s6, $0x1;
	p1 =	sne.s32 s30, $0x0  }
0x14f: {  	[tilespmem:s20+$0x5580] =	vst.msk vm0, v8;
	s20 =	sshrl.u32 s31, $0x1B;
	p0 =	por !p0, !p1  }
0x150: {  	s6 =	sadd.s32 s20, s6;
	s20 =	simm.s32 $0x1;
	p0 =	por !p0, !p0  }
0x151: {  	vm14 =	vmmov vm12;
	s0 =	sadd.s32 $0x20, s25;
	s31 =	sshra.s32 s6, $0x5;
	s20 =	simm.s32 @!p0 $0x0  }
0x152: {  	vm1 =	vmmov vm14;
	v8 =	vor.u32 s0, v0;
	s0 =	ssub.s32 s31, s20  }
0x153: {  	vm15 =	vmmov vm11;
	[tilespmem:s28+$0x4500] =	vst.msk vm1, v22;
	p0 =	slt.s32 s0, $0x1  }
.Ltmp7:
0x154: {  	vm0 =	vmmov vm15;
	[tilespmem:s28+$0x5580] =	vst.msk vm1, v8;
	s30 =	sadd.s32 $0x30, s25;
	(pc) =	sbr.rel @p0 .LBB2_9-.Ltmp7, $4  }
0x155: {  	[tilespmem:s2+$0x4500] =	vst.msk vm0, v45;
	v8 =	vor.u32 s30, v0  }
0x156: {  	v9 =	vimm.f32 $1.000000020e+30;
	[tilespmem:s2+$0x5580] =	vst.msk vm0, v8  }
0x157: {  	[tilespmem:s26+$0x4500] =	vst v9  }
0x158: {  	v8 =	vimm.s32 $0x0;
	[tilespmem:s26+$0x4510] =	vst v9  }
0x159: {  	s2 =	simm.s32 $0x4510  }
0x15a: {  	s6 =	simm.s32 $0x5590;
	v10 =	vld [tilespmem:s2+$0xFFFFFFF0]  }
0x15b: {  	v11 =	vld [tilespmem:s6+$0xFFFFFFF0]  }
0x15c: {  	v12 =	vld [tilespmem:s2+$0x0]  }
0x15d: {  	p2 =	sne.s32 s0, $0x1;
	v13 =	vld [tilespmem:s6+$0x0]  }
.Ltmp8:
0x15e: {  	_ = 	snop;
	(pc) =	sbr.rel @!p2 .LBB2_11-.Ltmp8, $3  }
0x15f: {  	_ =	sdelay $0x1  }
0x160: {  	(xrf1) =	vsort.ascd.msk.f32 $0xffff, v10, v11  }
0x161: {  	s0 =	sadd.s32 $0xFFFFFFFF, s0;
	p0 =	por $0x0, $0x0;
	p1 =	por $0x0, $0x0;
	(xrf1) =	vsort.ascd.msk.f32 $0xffff, v12, v13  }
0x162: {  	_ =	sdelay $0x7  }
0x163: {  	s2 =	simm.s32 $0x4530  }
0x164: {  	s6 =	simm.s32 $0x55B0;
	v11 =	vld [tilespmem:s2+$0xFFFFFFF0]  }
0x165: {  	v12 =	vld [tilespmem:s6+$0xFFFFFFF0]  }
0x166: {  	v10 =	vmul.u32 $0xFFFFFFFF, v0;
	v13 =	vld [tilespmem:s2+$0x0]  }
0x167: {  	v16 =	vld [tilespmem:s6+$0x0];
	v14, v15, _ =	vpop (xrf1)  }
0x168: {  	p2 =	sne.s32 s0, $0x1;
	v10 =	vadd.s32 $0xF, v10;
	v17, v18, _ =	vpop (xrf1)  }
.Ltmp9:
0x169: {  	v17 =	vperm.xlane v17, v10;
	(pc) =	sbr.rel @!p2 .LBB2_13-.Ltmp9, $4  }
0x16a: {  	v18 =	vperm.xlane v18, v10  }
0x16b: {  	(xrf1) =	vsort.ascd.msk.f32 $0xffff, v11, v12;
	vm0 =	vle.f32 v14, v17  }
0x16c: {  	(xrf1) =	vsort.ascd.msk.f32 $0xffff, v13, v16;
	v11 =	vsel vm0, v14, v17;
	v12 =	vsel vm0, v15, v18  }
0x16d: {  	s0 =	sadd.s32 $0xFFFFFFFF, s0;
	p0 =	por $0x1, $0x1;
	v13 =	vsel vm0, v17, v14;
	v16 =	vsel vm0, v18, v15;
	(xrf1) =	vsort.ascd.msk.f32 $0xffff, v11, v12  }
0x16e: {  	_ =	sdelay $0x1  }
0x16f: {  	(xrf1) =	vsort.ascd.msk.f32 $0xffff, v13, v16;
	_ =	sdelay $0x2  }
0x170: {  	s25 =	simm.s32 $0x4550  }
0x171: {  	s26 =	simm.s32 $0x55D0;
	v11 =	vld [tilespmem:s25+$0xFFFFFFF0]  }
0x172: {  	v13 =	vld [tilespmem:s26+$0xFFFFFFF0]  }
0x173: {  	v17 =	vld [tilespmem:s25+$0x0]  }
0x174: {  	v18 =	vld [tilespmem:s26+$0x0];
	_ =	sdelay $0x1  }
0x175: {  	v14, v16, _ =	vpop (xrf1)  }
0x176: {  	v12, v15, _ =	vpop (xrf1)  }
0x177: {  	p2 =	sne.s32 s0, $0x1;
	(xrf1) =	vsort.ascd.msk.f32 $0xffff, v11, v13;
	v19 =	vperm.xlane v12, v10  }
.Ltmp10:
0x178: {  	(xrf1) =	vsort.ascd.msk.f32 $0xffff, v17, v18;
	v17 =	vimm.f32 $1.000000020e+30;
	(pc) =	sbr.rel @!p2 .LBB2_15-.Ltmp10, $4  }
0x179: {  	v18 =	vimm.f32 $1.000000020e+30;
	v21 =	vperm.xlane v15, v10;
	v20, v12, _ =	vpop (xrf1);
	vm0 =	vle.f32 v14, v19  }
0x17a: {  	v11, v22, _ =	vpop (xrf1);
	v15 =	vperm.xlane v20, v10;
	v20 =	vimm.s32 $0x0;
	v23 =	vsel vm0, v14, v19  }
0x17b: {  	v13 =	vsel vm0, v19, v14;
	v24 =	vsel vm0, v16, v21;
	v14 =	vperm.xlane v11, v10  }
0x17c: {  	s0 =	sadd.s32 $0xFFFFFFFF, s0;
	p1 =	por $0x1, $0x1;
	v16 =	vsel vm0, v21, v16;
	v19 =	vperm.xlane v22, v10;
	v11 =	vmovc v10;
	v21 =	vimm.s32 $0x0;
	(xrf1) =	vsort.ascd.msk.f32 $0xffff, v23, v24  }
.LBB2_16:
0x17d: {  	p2 =	sne.s32 s0, $0x1;
	v12 =	vperm.xlane v12, v11;
	vm0 =	vle.f32 v17, v14;
	vm1 =	vle.f32 v18, v15;
	v11 =	vmovc v10  }
0x17e: {  	(xrf1) =	vsort.ascd.msk.f32 $0xffff, v13, v16;
	v13 =	vsel vm0, v17, v14;
	v14 =	vsel vm1, v18, v15  }
0x17f: {  	v15 =	vsel vm0, v21, v19;
	v12 =	vsel vm1, v20, v12;
	vm0 =	vle.f32 v13, v14  }
0x180: {  	v16 =	vsel vm0, v13, v14;
	v13 =	vsel vm0, v14, v13;
	v14 =	vsel vm0, v12, v15  }
0x181: {  	v12 =	vsel vm0, v15, v12;
	(xrf1) =	vsort.ascd.msk.f32 $0xffff, v13, v14  }
0x182: {  	(xrf1) =	vsort.ascd.msk.f32 $0xffff, v16, v12;
	_ =	sdelay $0x2  }
0x183: {  	s25 =	sadd.s32 $0x20, s25  }
0x184: {  	s26 =	sadd.s32 $0x20, s26;
	v13 =	vld [tilespmem:s25+$0xFFFFFFF0]  }
0x185: {  	v14 =	vld [tilespmem:s26+$0xFFFFFFF0];
	v15, v16, _ =	vpop (xrf1)  }
0x186: {  	v17 =	vld [tilespmem:s25+$0x0];
	v18, v19, _ =	vpop (xrf1)  }
0x187: {  	v20 =	vld [tilespmem:s26+$0x0]  }
0x188: {  	v21, v12, _ =	vpop (xrf1)  }
0x189: {  	v18 =	vperm.xlane v18, v10  }
.Ltmp11:
0x18a: {  	v19 =	vperm.xlane v19, v10;
	v22, v23, _ =	vpop (xrf1);
	(pc) =	sbr.rel @p2 .LBB2_16-.Ltmp11, $4  }
0x18b: {  	vm0 =	vle.f32 v15, v18;
	(xrf1) =	vsort.ascd.msk.f32 $0xffff, v13, v14  }
0x18c: {  	v25 =	vsel vm0, v15, v18;
	v24 =	vsel vm0, v16, v19;
	(xrf1) =	vsort.ascd.msk.f32 $0xffff, v17, v20  }
0x18d: {  	v13 =	vsel vm0, v18, v15;
	v14 =	vperm.xlane v22, v11;
	v15 =	vperm.xlane v21, v11;
	v18, v20, _ =	vpop (xrf1)  }
0x18e: {  	s0 =	sadd.s32 $0xFFFFFFFF, s0;
	v16 =	vsel vm0, v19, v16;
	v19 =	vperm.xlane v23, v11;
	(xrf1) =	vsort.ascd.msk.f32 $0xffff, v25, v24;
	v17, v21, _ =	vpop (xrf1)  }
.LBB2_17:
0x18f: {  	v11 =	vperm.xlane @p1 v12, v11;
	vm0 =	vle.f32 @p1 v17, v14;
	vm1 =	vle.f32 @p1 v18, v15  }
0x190: {  	(xrf1) =	vsort.ascd.msk.f32 @p0 $0xffff, v13, v16;
	v12 =	vsel @p1 vm0, v17, v14;
	v13 =	vsel @p1 vm1, v18, v15  }
0x191: {  	v14 =	vsel @p1 vm0, v21, v19;
	v11 =	vsel @p1 vm1, v20, v11;
	vm0 =	vle.f32 @p1 v12, v13  }
0x192: {  	v15 =	vsel @p1 vm0, v13, v12;
	v16 =	vsel @p1 vm0, v11, v14  }
0x193: {  	v12 =	vsel @p1 vm0, v12, v13;
	v11 =	vsel @p1 vm0, v14, v11;
	(xrf1) =	vsort.ascd.msk.f32 @p1 $0xffff, v15, v16  }
0x194: {  	(xrf1) =	vsort.ascd.msk.f32 @p1 $0xffff, v12, v11;
	_ =	sdelay $0x4  }
0x195: {  	v11 =	vmul.u32 $0xFFFFFFFF, v0  }
0x196: {  	v53, v13, _ =	vpop (xrf1)  }
0x197: {  	v11 =	vadd.s32 $0xF, v11;
	v54, v55, _ =	vpop (xrf1)  }
0x198: {  	v14 =	vperm.xlane v54, v11  }
0x199: {  	v15 =	vperm.xlane v55, v11;
	v16, v17, _ =	vpop @p0 (xrf1)  }
0x19a: {  	vm12 =	vle.f32 v53, v14;
	v16 =	vperm.xlane @p0 v16, v10  }
0x19b: {  	v18, v19, _ =	vpop @p0 (xrf1);
	v17 =	vpsel p0, v17, v0;
	v56 =	vsel vm12, v53, v14;
	v57 =	vsel vm12, v13, v15  }
0x19c: {  	v12 =	vsel vm12, v14, v53;
	v14 =	vperm.xlane @p0 v18, v10;
	v13 =	vsel vm12, v15, v13  }
0x19d: {  	v15 =	vperm.xlane @p0 v19, v10;
	v10 =	vpsel p0, v10, v0;
	(xrf1) =	vsort.ascd.msk.f32 $0xffff, v56, v57;
	v18, v22, _ =	vpop @p1 (xrf1)  }
0x19e: {  	v16 =	vpsel p0, v16, v0;
	v10 =	vperm.xlane @p0 v17, v10;
	v14 =	vpsel p0, v14, v0;
	v19, v20, _ =	vpop @p1 (xrf1)  }
0x19f: {  	v15 =	vpsel p0, v15, v0;
	v18 =	vpsel p1, v18, v9;
	v19 =	vpsel p1, v19, v9  }
0x1a0: {  	v17 =	vpsel p1, v22, v8;
	vm1 =	vle.f32 @p0 v18, v16;
	vm0 =	vle.f32 @p0 v19, v14  }
0x1a1: {  	v20 =	vpsel p1, v20, v8;
	v16 =	vsel @p0 vm1, v18, v16;
	v14 =	vsel @p0 vm0, v19, v14  }
0x1a2: {  	v10 =	vsel @p0 vm1, v17, v10;
	v15 =	vsel @p0 vm0, v20, v15;
	vm0 =	vle.f32 @p0 v14, v16  }
0x1a3: {  	(xrf1) =	vsort.ascd.msk.f32 $0xffff, v12, v13;
	v12 =	vsel @p0 vm0, v16, v14;
	v13 =	vsel @p0 vm0, v10, v15  }
0x1a4: {  	v14 =	vsel @p0 vm0, v14, v16;
	v10 =	vsel @p0 vm0, v15, v10;
	(xrf1) =	vsort.ascd.msk.f32 @p0 $0xffff, v12, v13  }
0x1a5: {  	(xrf1) =	vsort.ascd.msk.f32 @p0 $0xffff, v14, v10;
	_ =	sdelay $0xa  }
0x1a6: {  	v10, v58, _ =	vpop (xrf1)  }
0x1a7: {  	v59, v60, _ =	vpop (xrf1)  }
0x1a8: {  	v10 =	vperm.xlane v10, v11;
	v15, v16, _ =	vpop @p0 (xrf1)  }
0x1a9: {  	v13 =	vperm.xlane v59, v11;
	v14 =	vperm.xlane v60, v11;
	v17, v18, _ =	vpop @p0 (xrf1)  }
0x1aa: {  	v11 =	vperm.xlane v58, v11;
	v17 =	vpsel p0, v17, v9;
	v9 =	vpsel p0, v15, v9  }
0x1ab: {  	v61 =	vpsel p0, v18, v8;
	vm13 =	vle.f32 v17, v13;
	vm14 =	vle.f32 v9, v10  }
0x1ac: {  	v8 =	vpsel p0, v16, v8;
	v62 =	vsel vm13, v17, v13;
	v9 =	vsel vm14, v9, v10  }
0x1ad: {  	v10 =	vsel vm13, v61, v14;
	v8 =	vsel vm14, v8, v11;
	vm15 =	vle.f32 v62, v9  }
0x1ae: {  	v11 =	vsel vm15, v9, v62;
	v63 =	vsel vm15, v8, v10  }
0x1af: {  	(xrf1) =	vsort.ascd.msk.f32 $0xffff, v11, v63  }
0x1b0: {  	v9 =	vsel vm15, v62, v9;
	v8 =	vsel vm15, v10, v8  }
0x1b1: {  	(xrf1) =	vsort.ascd.msk.f32 $0xffff, v9, v8;
	_ =	sdelay $0x9  }
.Ltmp12:
0x1b2: {  	_ = 	snop;
	(pc) =	sbr.rel .LBB2_18-.Ltmp12, $3  }
0x1b3: {  	_ = 	snop  }
0x1b4: {  	v8, v9, _ =	vpop (xrf1);
	_ =	sdelay $0x1  }
0x1b5: {  	v10, v8, _ =	vpop (xrf1)  }
.LBB2_11:
.Ltmp13:
0x1b6: {  	(pc) =	sbr.rel .LBB2_17-.Ltmp13, $3  }
0x1b7: {  	_ =	sdelay $0x1  }
0x1b8: {  	v17 =	vimm.f32 $1.000000020e+30  }
0x1b9: {  	v18 =	vimm.f32 $1.000000020e+30;
	v21 =	vimm.s32 $0x0;
	v20 =	vimm.s32 $0x0  }
.LBB2_13:
.Ltmp14:
0x1ba: {  	(pc) =	sbr.rel .LBB2_17-.Ltmp14, $3  }
0x1bb: {  	_ =	sdelay $0x1  }
0x1bc: {  	v17 =	vimm.f32 $1.000000020e+30  }
0x1bd: {  	v18 =	vimm.f32 $1.000000020e+30;
	v21 =	vimm.s32 $0x0;
	v20 =	vimm.s32 $0x0  }
.LBB2_15:
.Ltmp15:
0x1be: {  	(pc) =	sbr.rel .LBB2_17-.Ltmp15, $3  }
0x1bf: {  	_ =	sdelay $0x1  }
0x1c0: {  	v17 =	vimm.f32 $1.000000020e+30  }
0x1c1: {  	v11 =	vmovc v10;
	v18 =	vimm.f32 $1.000000020e+30;
	v21 =	vimm.s32 $0x0;
	v20 =	vimm.s32 $0x0  }
.LBB2_20:
0x1c2: {  	_ =	sfence.sel $0x180000  }
0x1c3: {  	[bflag:$0x0] =	sbarrier.arrive $0xFFFF  }
0x1c4: {  	_ =	strace $0x90000047  }
0x1c5: {  	s0 =	stileid.u32;
	[bflag:$0x2] =	sbarrier.arrive $0xFFFF  }
0x1c6: {  	p0 =	sne.s32 s0, $0x0;
	s0 =	rddreg [dreg:$0x8]  }
0x1c7: {  	s0 =	sadd.s32 @!p0 $0x100000, s0  }
0x1c8: {  	[sflag:s0] =	ssyncadd.tile.s32 @!p0 $0x1;
	_ =	shalt  }
.Lfunc_end2:
_tile_overlayer_lowered:
.L_overlay_start_2:
0x1c9: {  	(tag) =	ssettag $0x2  }
0x1ca: {  	s0 =	rddreg [dreg:$0x0];
	s2 =	stileid.u32  }
0x1cb: {  	s1 =	rddreg [dreg:$0x1];
	p0 =	sne.s32 s2, $0x0  }
0x1cc: {  	s3 =	rddreg [dreg:$0x2];
	[bflag:$0x3] =	sbarrier.arrive $0xFFFF;
	s2 =	simm.s32 @!p0 $0x1C05  }
0x1cd: {  	[timem:s3], [sflag:s2] =	dma.local @!p0 [hbm:s0], s1  }
0x1ce: {  	s0 =	simm.s32 @!p0 $0x5  }
0x1cf: {  	_ =	swait.ge @!p0 [sflag:s0], s1  }
0x1d0: {  	s1 =	ssub.s32 @!p0 $0x0, s1;
	[sflag:s0] =	ssyncset.done @!p0 $0x0  }
0x1d1: {  	[sflag:s0] =	ssyncadd.s32 @!p0 s1  }
0x1d2: {  	[bflag:$0x3] =	sbarrier.arrive $0xFFFF  }
0x1d3: {  	_ =	shalt  }

</sc_bundles>
